<compile_context>
chip_gen: v7x
topology: tpu7x:2x2x1
jax: 0.10.2.dev20260603
libtpu: 0.0.44.dev20260713+nightly
codegen_flags: <defaults>
</compile_context>

<pallas_src>
import functools

import jax
import jax.numpy as jnp
from jax import lax
from jax.experimental import pallas as pl
from jax.experimental.pallas import tpu as pltpu
from jax.experimental.pallas import tpu_sc as plsc

_ZLOSS_COEF = 1e-3
_NEG = -1e30
_TILE = 256
_GW = 128


def _router_kernel(x_ref, wd_ref, gw_ref, bias_ref,
                   z_ref, sel_ref, gat_ref, pos_ref, te_ref, zl_ref,
                   carry_ref, csel_ref):
    i = pl.program_id(0)
    n = pl.num_programs(0)
    blk = x_ref.shape[0]
    row0 = i * blk
    x = x_ref[...]
    z = jnp.dot(x, wd_ref[...], preferred_element_type=jnp.float32)
    z_ref[...] = z
    logits = jnp.dot(z, gw_ref[...], preferred_element_type=jnp.float32)
    m = jnp.max(logits, axis=1, keepdims=True)
    lse = m[:, 0] + jnp.log(jnp.sum(jnp.exp(logits - m), axis=1))
    part = jnp.sum(lse * lse)

    @pl.when(i == 0)
    def _():
        zl_ref[...] = part.reshape(1, 1)

    @pl.when(i != 0)
    def _():
        zl_ref[...] += part.reshape(1, 1)

    aff = jax.nn.sigmoid(logits)
    scores = aff + bias_ref[...]
    E = scores.shape[1]
    iota = lax.broadcasted_iota(jnp.int32, scores.shape, 1)
    m1 = jnp.max(scores, axis=1, keepdims=True)
    a1 = jnp.min(jnp.where(scores == m1, iota, E), axis=1)
    oh1 = iota == a1[:, None]
    scores2 = jnp.where(oh1, _NEG, scores)
    m2 = jnp.max(scores2, axis=1, keepdims=True)
    a2 = jnp.min(jnp.where(scores2 == m2, iota, E), axis=1)
    oh2 = iota == a2[:, None]
    aff1 = jnp.sum(jnp.where(oh1, aff, 0.0), axis=1)
    aff2 = jnp.sum(jnp.where(oh2, aff, 0.0), axis=1)
    denom = aff1 + aff2 + 1e-9
    g1 = aff1 / denom
    g2 = aff2 / denom
    sel_ref[pl.ds(row0, blk), :] = jnp.concatenate(
        [a1[:, None], a2[:, None]], axis=1)
    gat_ref[...] = jnp.concatenate([g1[:, None], g2[:, None]], axis=1)

    A = oh1.astype(jnp.float32) + oh2.astype(jnp.float32)
    r = lax.broadcasted_iota(jnp.int32, (blk, blk), 0)
    c = lax.broadcasted_iota(jnp.int32, (blk, blk), 1)
    tril = (r >= c).astype(jnp.float32)
    cin = jnp.dot(tril, A, preferred_element_type=jnp.float32)

    @pl.when(i == 0)
    def _():
        carry_ref[...] = jnp.zeros_like(carry_ref)

    carry = carry_ref[...]
    cex = cin - A + carry
    csel0 = jnp.sum(jnp.where(oh1, cex, 0.0), axis=1)
    csel1 = jnp.sum(jnp.where(oh2, cex, 0.0), axis=1)
    csel_ref[pl.ds(row0, blk), :] = jnp.concatenate(
        [csel0[:, None], csel1[:, None]], axis=1)
    newcarry = carry + jnp.sum(A, axis=0, keepdims=True)
    carry_ref[...] = newcarry

    @pl.when(i == n - 1)
    def _():
        counts = newcarry
        pc = jnp.floor((counts + (_TILE - 1.0))
                       * (1.0 / _TILE)) * _TILE
        rr = lax.broadcasted_iota(jnp.int32, (E, E), 0)
        cc = lax.broadcasted_iota(jnp.int32, (E, E), 1)
        U = (rr < cc).astype(jnp.float32)
        pc8 = jnp.broadcast_to(pc, (8, E))
        cumx = jnp.dot(pc8, U, preferred_element_type=jnp.float32,
                       precision=jax.lax.Precision.HIGHEST)[0:1]
        cumi = cumx + pc
        sel_all = sel_ref[...]
        csel_all = csel_ref[...]
        T = sel_all.shape[0]
        eio = lax.broadcasted_iota(jnp.int32, (T, E), 1)
        cumxB = jnp.broadcast_to(cumx, (T, E))
        p0 = jnp.sum(jnp.where(eio == sel_all[:, 0][:, None], cumxB, 0.0),
                     axis=1) + csel_all[:, 0]
        p1 = jnp.sum(jnp.where(eio == sel_all[:, 1][:, None], cumxB, 0.0),
                     axis=1) + csel_all[:, 1]
        pos_ref[...] = jnp.concatenate(
            [p0[:, None], p1[:, None]], axis=1).astype(jnp.int32)

        TE_ROWS = te_ref.shape[0]
        NT = TE_ROWS - 16
        r64 = lax.broadcasted_iota(jnp.int32, (TE_ROWS, 1), 0)
        tstart = r64.astype(jnp.float32) * float(_TILE)
        cumiB = jnp.broadcast_to(cumi, (TE_ROWS, E))
        te_v = jnp.sum((cumiB <= tstart).astype(jnp.float32), axis=1,
                       keepdims=True)
        te_v = jnp.minimum(te_v, float(E - 1))
        n_act = cumi[:, E - 1:E] * (1.0 / _TILE)
        te_v = jnp.where(r64 == NT, jnp.broadcast_to(n_act, (TE_ROWS, 1)),
                         te_v)
        te_ref[...] = te_v.astype(jnp.int32)


def _expert_kernel(te_ref, zg_ref, guw_ref, dw_ref, eo_ref):
    i = pl.program_id(0)
    n_act = te_ref[te_ref.shape[0] - 16, 0]

    @pl.when(i < n_act)
    def _():
        zt = zg_ref[...].astype(jnp.bfloat16)
        h = jnp.dot(zt, guw_ref[0].astype(jnp.bfloat16),
                    preferred_element_type=jnp.float32)
        F = h.shape[1] // 2
        hh = (jax.nn.silu(h[:, :F]) * h[:, F:]).astype(jnp.bfloat16)
        eo = jnp.dot(hh, dw_ref[0].astype(jnp.bfloat16),
                     preferred_element_type=jnp.float32)
        eo_ref[...] = eo


def _final_kernel(x_ref, r0_ref, r1_ref, gat_ref, sguw_ref, sdw_ref, wup_ref,
                  out_ref, sguw16_ref, sdw16_ref, wup16_ref):
    @pl.when(pl.program_id(0) == 0)
    def _():
        sguw16_ref[...] = sguw_ref[...].astype(jnp.bfloat16)
        sdw16_ref[...] = sdw_ref[...].astype(jnp.bfloat16)
        wup16_ref[...] = wup_ref[...].astype(jnp.bfloat16)

    x = x_ref[...].astype(jnp.bfloat16)
    Fs = sdw_ref.shape[0]
    CH = 512
    g0 = gat_ref[:, 0:1]
    g1 = gat_ref[:, 1:2]
    ol = (g0 * r0_ref[...] + g1 * r1_ref[...]).astype(jnp.bfloat16)
    acc = jnp.dot(ol, wup16_ref[...], preferred_element_type=jnp.float32)
    for j in range(Fs // CH):
        gj = jnp.dot(x, sguw16_ref[:, j * CH:(j + 1) * CH],
                     preferred_element_type=jnp.float32)
        uj = jnp.dot(x, sguw16_ref[:, Fs + j * CH:Fs + (j + 1) * CH],
                     preferred_element_type=jnp.float32)
        hh = (jax.nn.silu(gj) * uj).astype(jnp.bfloat16)
        acc = acc + jnp.dot(hh, sdw16_ref[j * CH:(j + 1) * CH, :],
                            preferred_element_type=jnp.float32)
    out_ref[...] = acc


def _sc_dispatch(zl_, pos0, pos1, pad_rows):
    T, L = zl_.shape
    mesh = plsc.VectorSubcoreMesh(core_axis_name="c", subcore_axis_name="s")
    info = plsc.get_sparse_core_info()
    NC, NS = info.num_cores, info.num_subcores
    chunk = T // (NC * NS)

    @functools.partial(
        pl.kernel, mesh=mesh,
        out_type=jax.ShapeDtypeStruct((pad_rows, L), zl_.dtype),
        scratch_types=[
            pltpu.VMEM((chunk,), jnp.int32),
            pltpu.VMEM((chunk,), jnp.int32),
            pltpu.VMEM((chunk, L), zl_.dtype),
            pltpu.SemaphoreType.DMA,
            pltpu.SemaphoreType.DMA,
        ])
    def k(z_hbm, p0_hbm, p1_hbm, zg_hbm, p0_v, p1_v, rows_v, sem1, sem2):
        wid = lax.axis_index("s") * NC + lax.axis_index("c")
        base = wid * chunk
        pltpu.sync_copy(p0_hbm.at[pl.ds(base, chunk)], p0_v)
        pltpu.sync_copy(p1_hbm.at[pl.ds(base, chunk)], p1_v)
        pltpu.sync_copy(z_hbm.at[pl.ds(base, chunk)], rows_v)
        c1 = pltpu.async_copy(rows_v, zg_hbm.at[p0_v], sem1)
        c2 = pltpu.async_copy(rows_v, zg_hbm.at[p1_v], sem2)
        c1.wait()
        c2.wait()

    return k(zl_, pos0, pos1)


def _sc_combine(eo_, pos0, pos1):
    _, L = eo_.shape
    T = pos0.shape[0]
    mesh = plsc.VectorSubcoreMesh(core_axis_name="c", subcore_axis_name="s")
    info = plsc.get_sparse_core_info()
    NC, NS = info.num_cores, info.num_subcores
    chunk = T // (NC * NS)

    @functools.partial(
        pl.kernel, mesh=mesh,
        out_type=(jax.ShapeDtypeStruct((T, L), eo_.dtype),
                  jax.ShapeDtypeStruct((T, L), eo_.dtype)),
        scratch_types=[
            pltpu.VMEM((chunk,), jnp.int32),
            pltpu.VMEM((chunk,), jnp.int32),
            pltpu.VMEM((chunk, L), eo_.dtype),
            pltpu.VMEM((chunk, L), eo_.dtype),
            pltpu.SemaphoreType.DMA,
            pltpu.SemaphoreType.DMA,
        ])
    def k(eo_hbm, p0_hbm, p1_hbm, r0_hbm, r1_hbm,
          p0_v, p1_v, r0_v, r1_v, sem1, sem2):
        wid = lax.axis_index("s") * NC + lax.axis_index("c")
        base = wid * chunk
        pltpu.sync_copy(p0_hbm.at[pl.ds(base, chunk)], p0_v)
        pltpu.sync_copy(p1_hbm.at[pl.ds(base, chunk)], p1_v)
        c1 = pltpu.async_copy(eo_hbm.at[p0_v], r0_v, sem1)
        c2 = pltpu.async_copy(eo_hbm.at[p1_v], r1_v, sem2)
        c1.wait()
        c2.wait()
        pltpu.sync_copy(r0_v, r0_hbm.at[pl.ds(base, chunk)])
        pltpu.sync_copy(r1_v, r1_hbm.at[pl.ds(base, chunk)])

    return k(eo_, pos0, pos1)


def kernel(x, W_down, gate_w, expert_bias, gate_up_w, down_w, W_up,
           shared_gu_w, shared_down_w):
    orig_shape = x.shape
    D = x.shape[-1]
    x_flat = x.reshape(-1, D)
    T = x_flat.shape[0]
    L = W_down.shape[1]
    E = gate_w.shape[1]
    F = down_w.shape[1]
    Fs = shared_down_w.shape[0]
    TOPK = 2
    NP = T * TOPK
    PAD = ((NP + E * (_TILE - 1) + _TILE - 1) // _TILE) * _TILE
    NT = PAD // _TILE

    blk = 512
    grid_t = T // blk
    fblk = 512
    fgrid = T // fblk

    zrt, selected, gating, pos, te, zl = pl.pallas_call(
        _router_kernel,
        grid=(grid_t,),
        in_specs=[
            pl.BlockSpec((blk, D), lambda i: (i, 0)),
            pl.BlockSpec((D, L), lambda i: (0, 0)),
            pl.BlockSpec((L, E), lambda i: (0, 0)),
            pl.BlockSpec((1, E), lambda i: (0, 0)),
        ],
        out_specs=[
            pl.BlockSpec((blk, L), lambda i: (i, 0)),
            pl.BlockSpec((T, 2), lambda i: (0, 0)),
            pl.BlockSpec((blk, 2), lambda i: (i, 0)),
            pl.BlockSpec((T, 2), lambda i: (0, 0)),
            pl.BlockSpec((NT + 16, 1), lambda i: (0, 0)),
            pl.BlockSpec((1, 1), lambda i: (0, 0)),
        ],
        out_shape=[
            jax.ShapeDtypeStruct((T, L), jnp.float32),
            jax.ShapeDtypeStruct((T, 2), jnp.int32),
            jax.ShapeDtypeStruct((T, 2), jnp.float32),
            jax.ShapeDtypeStruct((T, 2), jnp.int32),
            jax.ShapeDtypeStruct((NT + 16, 1), jnp.int32),
            jax.ShapeDtypeStruct((1, 1), jnp.float32),
        ],
        scratch_shapes=[pltpu.VMEM((1, E), jnp.float32),
                        pltpu.VMEM((T, 2), jnp.float32)],
    )(x_flat, W_down, gate_w, expert_bias.reshape(1, E))

    z_loss = (_ZLOSS_COEF / T) * zl[0, 0]

    pos0 = pos[:, 0]
    pos1 = pos[:, 1]

    zg = _sc_dispatch(zrt, pos0, pos1, PAD)

    grid_spec = pltpu.PrefetchScalarGridSpec(
        num_scalar_prefetch=1,
        grid=(NT,),
        in_specs=[
            pl.BlockSpec((_TILE, L), lambda i, te_r: (i, 0)),
            pl.BlockSpec((1, L, 2 * F), lambda i, te_r: (te_r[i, 0], 0, 0)),
            pl.BlockSpec((1, F, L), lambda i, te_r: (te_r[i, 0], 0, 0)),
        ],
        out_specs=pl.BlockSpec((_TILE, L), lambda i, te_r: (i, 0)),
    )
    eo = pl.pallas_call(
        _expert_kernel,
        grid_spec=grid_spec,
        out_shape=jax.ShapeDtypeStruct((PAD, L), jnp.float32),
        compiler_params=pltpu.CompilerParams(
            dimension_semantics=("arbitrary",)),
    )(te, zg, gate_up_w, down_w)

    r0, r1 = _sc_combine(eo, pos0, pos1)

    out = pl.pallas_call(
        _final_kernel,
        grid=(fgrid,),
        in_specs=[
            pl.BlockSpec((fblk, D), lambda i: (i, 0)),
            pl.BlockSpec((fblk, L), lambda i: (i, 0)),
            pl.BlockSpec((fblk, L), lambda i: (i, 0)),
            pl.BlockSpec((fblk, 2), lambda i: (i, 0)),
            pl.BlockSpec((D, 2 * Fs), lambda i: (0, 0)),
            pl.BlockSpec((Fs, D), lambda i: (0, 0)),
            pl.BlockSpec((L, D), lambda i: (0, 0)),
        ],
        out_specs=pl.BlockSpec((fblk, D), lambda i: (i, 0)),
        out_shape=jax.ShapeDtypeStruct((T, D), jnp.float32),
        scratch_shapes=[pltpu.VMEM((D, 2 * Fs), jnp.bfloat16),
                        pltpu.VMEM((Fs, D), jnp.bfloat16),
                        pltpu.VMEM((L, D), jnp.bfloat16)],
    )(x_flat, r0, r1, gating, shared_gu_w, shared_down_w, W_up)

    return (out.reshape(orig_shape), selected, gating, z_loss)

# --- scband reference (transcript-rebuilt; emitter-appended) ---
"""Pipeline reference for scband-latent-mo-elayer-12773232738935 (READ-ONLY COPY).

The authoritative reference and input builder live on the scoring server;
editing this copy changes nothing except your own understanding.
"""

import jax, jax.numpy as jnp
import numpy as np

B = 1
S = 2048
D_MODEL = 1024
LATENT = 256
E = 16
TOPK = 2
D_FF = 512
D_FF_SHARED = 1024
Z_LOSS_COEF = 1e-3


def setup_inputs(seed: int = 0) -> dict:
    key = jax.random.key(seed)
    ks = [jax.random.fold_in(key, i) for i in range(9)]
    x = jax.random.normal(ks[0], (B, S, D_MODEL), dtype=jnp.float32)
    W_down = jax.random.normal(ks[1], (D_MODEL, LATENT), dtype=jnp.float32) * 0.02
    gate_w = jax.random.normal(ks[2], (LATENT, E), dtype=jnp.float32) * 0.01
    expert_bias = jnp.zeros((E,), dtype=jnp.float32)
    gate_up_w = jax.random.normal(ks[3], (E, LATENT, 2 * D_FF), dtype=jnp.float32) * 0.02
    down_w = jax.random.normal(ks[4], (E, D_FF, LATENT), dtype=jnp.float32) * 0.02
    W_up = jax.random.normal(ks[5], (LATENT, D_MODEL), dtype=jnp.float32) * 0.02
    shared_gu_w = jax.random.normal(ks[6], (D_MODEL, 2 * D_FF_SHARED), dtype=jnp.float32) * 0.02
    shared_down_w = jax.random.normal(ks[7], (D_FF_SHARED, D_MODEL), dtype=jnp.float32) * 0.02
    return {"x": x, "W_down": W_down, "gate_w": gate_w, "expert_bias": expert_bias,
            "gate_up_w": gate_up_w, "down_w": down_w, "W_up": W_up,
            "shared_gu_w": shared_gu_w, "shared_down_w": shared_down_w}


def reference(x, W_down, gate_w, expert_bias, gate_up_w, down_w, W_up, shared_gu_w, shared_down_w):
    orig_shape = x.shape
    x_flat = x.reshape(-1, x.shape[-1])
    T = x_flat.shape[0]
    # latent down-projection
    z = x_flat @ W_down
    # aux-loss-free router (sigmoid affinity + bias, z-loss)
    logits = z @ gate_w
    z_loss = Z_LOSS_COEF * jnp.mean(jax.nn.logsumexp(logits, axis=-1) ** 2)
    affinity = jax.nn.sigmoid(logits)
    scores = affinity + expert_bias[None, :]
    _, selected = jax.lax.top_k(scores, TOPK)
    sel_aff = jnp.take_along_axis(affinity, selected, axis=1)
    gating = sel_aff / (jnp.sum(sel_aff, axis=-1, keepdims=True) + 1e-9)
    # dense combine weights via scatter-add
    comb = jnp.zeros((T, E), dtype=jnp.float32).at[jnp.arange(T)[:, None], selected].add(gating)
    # batched latent SwiGLU experts
    h = jnp.einsum('tl,elf->etf', z, gate_up_w)
    g, u = jnp.split(h, 2, axis=-1)
    hh = jax.nn.silu(g) * u
    eo = jnp.einsum('etf,efl->etl', hh, down_w)
    out_latent = jnp.einsum('te,etl->tl', comb, eo)
    # shared expert in full d_model space
    gc = x_flat @ shared_gu_w
    sg, su = jnp.split(gc, 2, axis=-1)
    shared_out = (jax.nn.silu(sg) * su) @ shared_down_w
    out = (out_latent @ W_up + shared_out).reshape(orig_shape)
    return (out, selected, gating, z_loss)

if __name__ == "__main__":
    import jax
    _d = setup_inputs()
    print(jax.jit(kernel)(*tuple(_d.values())))

</pallas_src>

<mosaic_0001>
#map = affine_map<(d0, d1) -> (0, 0)>
#map1 = affine_map<(d0, d1) -> (0)>
module attributes {stable_mosaic.version = 14 : i64} {
  func.func @k(%arg0: i32, %arg1: i32, %arg2: memref<8192x256xf32, #tpu.memory_space<hbm>>, %arg3: memref<2048xi32, #tpu.memory_space<hbm>>, %arg4: memref<2048xi32, #tpu.memory_space<hbm>>, %arg5: memref<2048x256xf32, #tpu.memory_space<hbm>>, %arg6: memref<2048x256xf32, #tpu.memory_space<hbm>>, %arg7: memref<64xi32, #tpu.memory_space<vmem>>, %arg8: memref<64xi32, #tpu.memory_space<vmem>>, %arg9: memref<64x256xf32, #tpu.memory_space<vmem>>, %arg10: memref<64x256xf32, #tpu.memory_space<vmem>>, %arg11: memref<!tpu.dma_semaphore, #tpu.memory_space<semaphore_mem>>, %arg12: memref<!tpu.dma_semaphore, #tpu.memory_space<semaphore_mem>>) attributes {dimension_semantics = [#tpu.dimension_semantics<core_parallel>, #tpu.dimension_semantics<subcore_parallel>], iteration_bounds = array<i64: 2, 16>, scalar_prefetch = 0 : i64, scratch_operands = 6 : i64, tpu.core_type = #tpu.core_type<sc_vector_subcore>, window_params = [{transform_indices = #map}, {transform_indices = #map1}, {transform_indices = #map1}, {transform_indices = #map}, {transform_indices = #map}]} {
    %mul3A = arith.constant 2 : i32
    %mul3A_0 = arith.muli %arg1, %mul3A : i32
    %add3A = arith.addi %mul3A_0, %arg0 : i32
    %mul3A_1 = arith.constant 64 : i32
    %mul3A_2 = arith.muli %add3A, %mul3A_1 : i32
    "tpu.region"() ({
      %run_scoped3A = tpu.sem_alloc : memref<!tpu.dma_semaphore, #tpu.memory_space<semaphore_mem>>
      %dma_start3A_13 = tpu.memref_slice %arg3[%mul3A_2] : memref<2048xi32, #tpu.memory_space<hbm>> -> memref<64xi32, #tpu.memory_space<hbm>>
      %dma_start3A_14 = tpu.memref_slice %arg3[%mul3A_2] : memref<2048xi32, #tpu.memory_space<hbm>> -> memref<64xi32, #tpu.memory_space<hbm>>
      tpu.enqueue_dma source(%dma_start3A_14 : memref<64xi32, #tpu.memory_space<hbm>>) target(%arg7 : memref<64xi32, #tpu.memory_space<vmem>>) target_semaphore(%run_scoped3A : memref<!tpu.dma_semaphore, #tpu.memory_space<semaphore_mem>>)
      %dma_wait3A_15 = tpu.memref_slice %arg3[%mul3A_2] : memref<2048xi32, #tpu.memory_space<hbm>> -> memref<64xi32, #tpu.memory_space<hbm>>
      %dma_wait3A_16 = tpu.memref_slice %arg3[%mul3A_2] : memref<2048xi32, #tpu.memory_space<hbm>> -> memref<64xi32, #tpu.memory_space<hbm>>
      tpu.wait_dma2 semaphore(%run_scoped3A : memref<!tpu.dma_semaphore, #tpu.memory_space<semaphore_mem>>) src(%dma_wait3A_16 : memref<64xi32, #tpu.memory_space<hbm>>) dst(%arg7 : memref<64xi32, #tpu.memory_space<vmem>>)
      tpu.yield
    }) : () -> ()
    "tpu.region"() ({
      %run_scoped3A = tpu.sem_alloc : memref<!tpu.dma_semaphore, #tpu.memory_space<semaphore_mem>>
      %dma_start3A_13 = tpu.memref_slice %arg4[%mul3A_2] : memref<2048xi32, #tpu.memory_space<hbm>> -> memref<64xi32, #tpu.memory_space<hbm>>
      %dma_start3A_14 = tpu.memref_slice %arg4[%mul3A_2] : memref<2048xi32, #tpu.memory_space<hbm>> -> memref<64xi32, #tpu.memory_space<hbm>>
      tpu.enqueue_dma source(%dma_start3A_14 : memref<64xi32, #tpu.memory_space<hbm>>) target(%arg8 : memref<64xi32, #tpu.memory_space<vmem>>) target_semaphore(%run_scoped3A : memref<!tpu.dma_semaphore, #tpu.memory_space<semaphore_mem>>)
      %dma_wait3A_15 = tpu.memref_slice %arg4[%mul3A_2] : memref<2048xi32, #tpu.memory_space<hbm>> -> memref<64xi32, #tpu.memory_space<hbm>>
      %dma_wait3A_16 = tpu.memref_slice %arg4[%mul3A_2] : memref<2048xi32, #tpu.memory_space<hbm>> -> memref<64xi32, #tpu.memory_space<hbm>>
      tpu.wait_dma2 semaphore(%run_scoped3A : memref<!tpu.dma_semaphore, #tpu.memory_space<semaphore_mem>>) src(%dma_wait3A_16 : memref<64xi32, #tpu.memory_space<hbm>>) dst(%arg8 : memref<64xi32, #tpu.memory_space<vmem>>)
      tpu.yield
    }) : () -> ()
    %dma_start3A = arith.constant 0 : i32
    %dma_start3A_3 = arith.constant 0 : i32
    %dma_start3A_4 = tpu.memref_slice %arg2[%dma_start3A, %dma_start3A_3] : memref<8192x256xf32, #tpu.memory_space<hbm>> -> memref<8192x256xf32, #tpu.memory_space<hbm>>
    tpu.enqueue_indirect_dma source(%dma_start3A_4 : memref<8192x256xf32, #tpu.memory_space<hbm>>) target(%arg9 : memref<64x256xf32, #tpu.memory_space<vmem>>) offsets(%arg7 : memref<64xi32, #tpu.memory_space<vmem>>) semaphore(%arg11 : memref<!tpu.dma_semaphore, #tpu.memory_space<semaphore_mem>>)
    %dma_start3A_5 = arith.constant 0 : i32
    %dma_start3A_6 = arith.constant 0 : i32
    %dma_start3A_7 = tpu.memref_slice %arg2[%dma_start3A_5, %dma_start3A_6] : memref<8192x256xf32, #tpu.memory_space<hbm>> -> memref<8192x256xf32, #tpu.memory_space<hbm>>
    tpu.enqueue_indirect_dma source(%dma_start3A_7 : memref<8192x256xf32, #tpu.memory_space<hbm>>) target(%arg10 : memref<64x256xf32, #tpu.memory_space<vmem>>) offsets(%arg8 : memref<64xi32, #tpu.memory_space<vmem>>) semaphore(%arg12 : memref<!tpu.dma_semaphore, #tpu.memory_space<semaphore_mem>>)
    %dma_wait3A = arith.constant 0 : i32
    %dma_wait3A_8 = arith.constant 0 : i32
    %dma_wait3A_9 = tpu.memref_slice %arg2[%dma_wait3A, %dma_wait3A_8] : memref<8192x256xf32, #tpu.memory_space<hbm>> -> memref<8192x256xf32, #tpu.memory_space<hbm>>
    tpu.wait_indirect_dma semaphore(%arg11 : memref<!tpu.dma_semaphore, #tpu.memory_space<semaphore_mem>>) src(%dma_wait3A_9 : memref<8192x256xf32, #tpu.memory_space<hbm>>) dst(%arg9 : memref<64x256xf32, #tpu.memory_space<vmem>>)
    %dma_wait3A_10 = arith.constant 0 : i32
    %dma_wait3A_11 = arith.constant 0 : i32
    %dma_wait3A_12 = tpu.memref_slice %arg2[%dma_wait3A_10, %dma_wait3A_11] : memref<8192x256xf32, #tpu.memory_space<hbm>> -> memref<8192x256xf32, #tpu.memory_space<hbm>>
    tpu.wait_indirect_dma semaphore(%arg12 : memref<!tpu.dma_semaphore, #tpu.memory_space<semaphore_mem>>) src(%dma_wait3A_12 : memref<8192x256xf32, #tpu.memory_space<hbm>>) dst(%arg10 : memref<64x256xf32, #tpu.memory_space<vmem>>)
    "tpu.region"() ({
      %run_scoped3A = tpu.sem_alloc : memref<!tpu.dma_semaphore, #tpu.memory_space<semaphore_mem>>
      %dma_start3A_13 = arith.constant 0 : i32
      %dma_start3A_14 = tpu.memref_slice %arg5[%mul3A_2, %dma_start3A_13] : memref<2048x256xf32, #tpu.memory_space<hbm>> -> memref<64x256xf32, #tpu.memory_space<hbm>>
      %dma_start3A_15 = arith.constant 0 : i32
      %dma_start3A_16 = tpu.memref_slice %arg5[%mul3A_2, %dma_start3A_15] : memref<2048x256xf32, #tpu.memory_space<hbm>> -> memref<64x256xf32, #tpu.memory_space<hbm>>
      tpu.enqueue_dma source(%arg9 : memref<64x256xf32, #tpu.memory_space<vmem>>) target(%dma_start3A_16 : memref<64x256xf32, #tpu.memory_space<hbm>>) target_semaphore(%run_scoped3A : memref<!tpu.dma_semaphore, #tpu.memory_space<semaphore_mem>>)
      %dma_wait3A_17 = arith.constant 0 : i32
      %dma_wait3A_18 = tpu.memref_slice %arg5[%mul3A_2, %dma_wait3A_17] : memref<2048x256xf32, #tpu.memory_space<hbm>> -> memref<64x256xf32, #tpu.memory_space<hbm>>
      %dma_wait3A_19 = arith.constant 0 : i32
      %dma_wait3A_20 = tpu.memref_slice %arg5[%mul3A_2, %dma_wait3A_19] : memref<2048x256xf32, #tpu.memory_space<hbm>> -> memref<64x256xf32, #tpu.memory_space<hbm>>
      tpu.wait_dma2 semaphore(%run_scoped3A : memref<!tpu.dma_semaphore, #tpu.memory_space<semaphore_mem>>) src(%arg9 : memref<64x256xf32, #tpu.memory_space<vmem>>) dst(%dma_wait3A_20 : memref<64x256xf32, #tpu.memory_space<hbm>>)
      tpu.yield
    }) : () -> ()
    "tpu.region"() ({
      %run_scoped3A = tpu.sem_alloc : memref<!tpu.dma_semaphore, #tpu.memory_space<semaphore_mem>>
      %dma_start3A_13 = arith.constant 0 : i32
      %dma_start3A_14 = tpu.memref_slice %arg6[%mul3A_2, %dma_start3A_13] : memref<2048x256xf32, #tpu.memory_space<hbm>> -> memref<64x256xf32, #tpu.memory_space<hbm>>
      %dma_start3A_15 = arith.constant 0 : i32
      %dma_start3A_16 = tpu.memref_slice %arg6[%mul3A_2, %dma_start3A_15] : memref<2048x256xf32, #tpu.memory_space<hbm>> -> memref<64x256xf32, #tpu.memory_space<hbm>>
      tpu.enqueue_dma source(%arg10 : memref<64x256xf32, #tpu.memory_space<vmem>>) target(%dma_start3A_16 : memref<64x256xf32, #tpu.memory_space<hbm>>) target_semaphore(%run_scoped3A : memref<!tpu.dma_semaphore, #tpu.memory_space<semaphore_mem>>)
      %dma_wait3A_17 = arith.constant 0 : i32
      %dma_wait3A_18 = tpu.memref_slice %arg6[%mul3A_2, %dma_wait3A_17] : memref<2048x256xf32, #tpu.memory_space<hbm>> -> memref<64x256xf32, #tpu.memory_space<hbm>>
      %dma_wait3A_19 = arith.constant 0 : i32
      %dma_wait3A_20 = tpu.memref_slice %arg6[%mul3A_2, %dma_wait3A_19] : memref<2048x256xf32, #tpu.memory_space<hbm>> -> memref<64x256xf32, #tpu.memory_space<hbm>>
      tpu.wait_dma2 semaphore(%run_scoped3A : memref<!tpu.dma_semaphore, #tpu.memory_space<semaphore_mem>>) src(%arg10 : memref<64x256xf32, #tpu.memory_space<vmem>>) dst(%dma_wait3A_20 : memref<64x256xf32, #tpu.memory_space<hbm>>)
      tpu.yield
    }) : () -> ()
    return
  }
}

#map = affine_map<(d0, d1) -> (0, 0)>
#map1 = affine_map<(d0, d1) -> (0)>
module attributes {stable_mosaic.version = 14 : i64} {
  func.func @k(%arg0: i32, %arg1: i32, %arg2: memref<2048x256xf32, #tpu.memory_space<hbm>>, %arg3: memref<2048xi32, #tpu.memory_space<hbm>>, %arg4: memref<2048xi32, #tpu.memory_space<hbm>>, %arg5: memref<8192x256xf32, #tpu.memory_space<hbm>>, %arg6: memref<64xi32, #tpu.memory_space<vmem>>, %arg7: memref<64xi32, #tpu.memory_space<vmem>>, %arg8: memref<64x256xf32, #tpu.memory_space<vmem>>, %arg9: memref<!tpu.dma_semaphore, #tpu.memory_space<semaphore_mem>>, %arg10: memref<!tpu.dma_semaphore, #tpu.memory_space<semaphore_mem>>) attributes {dimension_semantics = [#tpu.dimension_semantics<core_parallel>, #tpu.dimension_semantics<subcore_parallel>], iteration_bounds = array<i64: 2, 16>, scalar_prefetch = 0 : i64, scratch_operands = 5 : i64, tpu.core_type = #tpu.core_type<sc_vector_subcore>, window_params = [{transform_indices = #map}, {transform_indices = #map1}, {transform_indices = #map1}, {transform_indices = #map}]} {
    %mul3A = arith.constant 2 : i32
    %mul3A_0 = arith.muli %arg1, %mul3A : i32
    %add3A = arith.addi %mul3A_0, %arg0 : i32
    %mul3A_1 = arith.constant 64 : i32
    %mul3A_2 = arith.muli %add3A, %mul3A_1 : i32
    "tpu.region"() ({
      %run_scoped3A = tpu.sem_alloc : memref<!tpu.dma_semaphore, #tpu.memory_space<semaphore_mem>>
      %dma_start3A_13 = tpu.memref_slice %arg3[%mul3A_2] : memref<2048xi32, #tpu.memory_space<hbm>> -> memref<64xi32, #tpu.memory_space<hbm>>
      %dma_start3A_14 = tpu.memref_slice %arg3[%mul3A_2] : memref<2048xi32, #tpu.memory_space<hbm>> -> memref<64xi32, #tpu.memory_space<hbm>>
      tpu.enqueue_dma source(%dma_start3A_14 : memref<64xi32, #tpu.memory_space<hbm>>) target(%arg6 : memref<64xi32, #tpu.memory_space<vmem>>) target_semaphore(%run_scoped3A : memref<!tpu.dma_semaphore, #tpu.memory_space<semaphore_mem>>)
      %dma_wait3A_15 = tpu.memref_slice %arg3[%mul3A_2] : memref<2048xi32, #tpu.memory_space<hbm>> -> memref<64xi32, #tpu.memory_space<hbm>>
      %dma_wait3A_16 = tpu.memref_slice %arg3[%mul3A_2] : memref<2048xi32, #tpu.memory_space<hbm>> -> memref<64xi32, #tpu.memory_space<hbm>>
      tpu.wait_dma2 semaphore(%run_scoped3A : memref<!tpu.dma_semaphore, #tpu.memory_space<semaphore_mem>>) src(%dma_wait3A_16 : memref<64xi32, #tpu.memory_space<hbm>>) dst(%arg6 : memref<64xi32, #tpu.memory_space<vmem>>)
      tpu.yield
    }) : () -> ()
    "tpu.region"() ({
      %run_scoped3A = tpu.sem_alloc : memref<!tpu.dma_semaphore, #tpu.memory_space<semaphore_mem>>
      %dma_start3A_13 = tpu.memref_slice %arg4[%mul3A_2] : memref<2048xi32, #tpu.memory_space<hbm>> -> memref<64xi32, #tpu.memory_space<hbm>>
      %dma_start3A_14 = tpu.memref_slice %arg4[%mul3A_2] : memref<2048xi32, #tpu.memory_space<hbm>> -> memref<64xi32, #tpu.memory_space<hbm>>
      tpu.enqueue_dma source(%dma_start3A_14 : memref<64xi32, #tpu.memory_space<hbm>>) target(%arg7 : memref<64xi32, #tpu.memory_space<vmem>>) target_semaphore(%run_scoped3A : memref<!tpu.dma_semaphore, #tpu.memory_space<semaphore_mem>>)
      %dma_wait3A_15 = tpu.memref_slice %arg4[%mul3A_2] : memref<2048xi32, #tpu.memory_space<hbm>> -> memref<64xi32, #tpu.memory_space<hbm>>
      %dma_wait3A_16 = tpu.memref_slice %arg4[%mul3A_2] : memref<2048xi32, #tpu.memory_space<hbm>> -> memref<64xi32, #tpu.memory_space<hbm>>
      tpu.wait_dma2 semaphore(%run_scoped3A : memref<!tpu.dma_semaphore, #tpu.memory_space<semaphore_mem>>) src(%dma_wait3A_16 : memref<64xi32, #tpu.memory_space<hbm>>) dst(%arg7 : memref<64xi32, #tpu.memory_space<vmem>>)
      tpu.yield
    }) : () -> ()
    "tpu.region"() ({
      %run_scoped3A = tpu.sem_alloc : memref<!tpu.dma_semaphore, #tpu.memory_space<semaphore_mem>>
      %dma_start3A_13 = arith.constant 0 : i32
      %dma_start3A_14 = tpu.memref_slice %arg2[%mul3A_2, %dma_start3A_13] : memref<2048x256xf32, #tpu.memory_space<hbm>> -> memref<64x256xf32, #tpu.memory_space<hbm>>
      %dma_start3A_15 = arith.constant 0 : i32
      %dma_start3A_16 = tpu.memref_slice %arg2[%mul3A_2, %dma_start3A_15] : memref<2048x256xf32, #tpu.memory_space<hbm>> -> memref<64x256xf32, #tpu.memory_space<hbm>>
      tpu.enqueue_dma source(%dma_start3A_16 : memref<64x256xf32, #tpu.memory_space<hbm>>) target(%arg8 : memref<64x256xf32, #tpu.memory_space<vmem>>) target_semaphore(%run_scoped3A : memref<!tpu.dma_semaphore, #tpu.memory_space<semaphore_mem>>)
      %dma_wait3A_17 = arith.constant 0 : i32
      %dma_wait3A_18 = tpu.memref_slice %arg2[%mul3A_2, %dma_wait3A_17] : memref<2048x256xf32, #tpu.memory_space<hbm>> -> memref<64x256xf32, #tpu.memory_space<hbm>>
      %dma_wait3A_19 = arith.constant 0 : i32
      %dma_wait3A_20 = tpu.memref_slice %arg2[%mul3A_2, %dma_wait3A_19] : memref<2048x256xf32, #tpu.memory_space<hbm>> -> memref<64x256xf32, #tpu.memory_space<hbm>>
      tpu.wait_dma2 semaphore(%run_scoped3A : memref<!tpu.dma_semaphore, #tpu.memory_space<semaphore_mem>>) src(%dma_wait3A_20 : memref<64x256xf32, #tpu.memory_space<hbm>>) dst(%arg8 : memref<64x256xf32, #tpu.memory_space<vmem>>)
      tpu.yield
    }) : () -> ()
    %dma_start3A = arith.constant 0 : i32
    %dma_start3A_3 = arith.constant 0 : i32
    %dma_start3A_4 = tpu.memref_slice %arg5[%dma_start3A, %dma_start3A_3] : memref<8192x256xf32, #tpu.memory_space<hbm>> -> memref<8192x256xf32, #tpu.memory_space<hbm>>
    tpu.enqueue_indirect_dma source(%arg8 : memref<64x256xf32, #tpu.memory_space<vmem>>) target(%dma_start3A_4 : memref<8192x256xf32, #tpu.memory_space<hbm>>) offsets(%arg6 : memref<64xi32, #tpu.memory_space<vmem>>) semaphore(%arg9 : memref<!tpu.dma_semaphore, #tpu.memory_space<semaphore_mem>>)
    %dma_start3A_5 = arith.constant 0 : i32
    %dma_start3A_6 = arith.constant 0 : i32
    %dma_start3A_7 = tpu.memref_slice %arg5[%dma_start3A_5, %dma_start3A_6] : memref<8192x256xf32, #tpu.memory_space<hbm>> -> memref<8192x256xf32, #tpu.memory_space<hbm>>
    tpu.enqueue_indirect_dma source(%arg8 : memref<64x256xf32, #tpu.memory_space<vmem>>) target(%dma_start3A_7 : memref<8192x256xf32, #tpu.memory_space<hbm>>) offsets(%arg7 : memref<64xi32, #tpu.memory_space<vmem>>) semaphore(%arg10 : memref<!tpu.dma_semaphore, #tpu.memory_space<semaphore_mem>>)
    %dma_wait3A = arith.constant 0 : i32
    %dma_wait3A_8 = arith.constant 0 : i32
    %dma_wait3A_9 = tpu.memref_slice %arg5[%dma_wait3A, %dma_wait3A_8] : memref<8192x256xf32, #tpu.memory_space<hbm>> -> memref<8192x256xf32, #tpu.memory_space<hbm>>
    tpu.wait_indirect_dma semaphore(%arg9 : memref<!tpu.dma_semaphore, #tpu.memory_space<semaphore_mem>>) src(%arg8 : memref<64x256xf32, #tpu.memory_space<vmem>>) dst(%dma_wait3A_9 : memref<8192x256xf32, #tpu.memory_space<hbm>>)
    %dma_wait3A_10 = arith.constant 0 : i32
    %dma_wait3A_11 = arith.constant 0 : i32
    %dma_wait3A_12 = tpu.memref_slice %arg5[%dma_wait3A_10, %dma_wait3A_11] : memref<8192x256xf32, #tpu.memory_space<hbm>> -> memref<8192x256xf32, #tpu.memory_space<hbm>>
    tpu.wait_indirect_dma semaphore(%arg10 : memref<!tpu.dma_semaphore, #tpu.memory_space<semaphore_mem>>) src(%arg8 : memref<64x256xf32, #tpu.memory_space<vmem>>) dst(%dma_wait3A_12 : memref<8192x256xf32, #tpu.memory_space<hbm>>)
    return
  }
}

module attributes {stable_mosaic.version = 14 : i64} {
  func.func @_router_kernel(%arg0: i32, %arg1: memref<512x1024xf32, #tpu.memory_space<vmem>>, %arg2: memref<1024x256xf32, #tpu.memory_space<vmem>>, %arg3: memref<256x16xf32, #tpu.memory_space<vmem>>, %arg4: memref<1x16xf32, #tpu.memory_space<vmem>>, %arg5: memref<512x256xf32, #tpu.memory_space<vmem>>, %arg6: memref<2048x2xi32, #tpu.memory_space<vmem>>, %arg7: memref<512x2xf32, #tpu.memory_space<vmem>>, %arg8: memref<2048x2xi32, #tpu.memory_space<vmem>>, %arg9: memref<48x1xi32, #tpu.memory_space<vmem>>, %arg10: memref<1x1xf32, #tpu.memory_space<vmem>>, %arg11: memref<1x16xf32, #tpu.memory_space<vmem>>, %arg12: memref<2048x2xf32, #tpu.memory_space<vmem>>) attributes {dimension_semantics = [#tpu.dimension_semantics<arbitrary>], iteration_bounds = array<i64: 4>, scalar_prefetch = 0 : i64, scratch_operands = 2 : i64, tpu.core_type = #tpu.core_type<tc>, window_params = [{transform_indices = @transform_0, window_bounds = array<i64: 512, 1024>}, {pipeline_mode = #tpu.pipeline_mode<synchronous>, transform_indices = @transform_1, window_bounds = array<i64: 1024, 256>}, {pipeline_mode = #tpu.pipeline_mode<synchronous>, transform_indices = @transform_2, window_bounds = array<i64: 256, 16>}, {pipeline_mode = #tpu.pipeline_mode<synchronous>, transform_indices = @transform_3, window_bounds = array<i64: 1, 16>}, {transform_indices = @transform_4, window_bounds = array<i64: 512, 256>}, {pipeline_mode = #tpu.pipeline_mode<synchronous>, transform_indices = @transform_5, window_bounds = array<i64: 2048, 2>}, {transform_indices = @transform_6, window_bounds = array<i64: 512, 2>}, {pipeline_mode = #tpu.pipeline_mode<synchronous>, transform_indices = @transform_7, window_bounds = array<i64: 2048, 2>}, {pipeline_mode = #tpu.pipeline_mode<synchronous>, transform_indices = @transform_8, window_bounds = array<i64: 48, 1>}, {pipeline_mode = #tpu.pipeline_mode<synchronous>, transform_indices = @transform_9, window_bounds = array<i64: 1, 1>}]} {
    %mul3A = arith.constant 512 : i32
    %mul3A_0 = arith.muli %arg0, %mul3A : i32
    %get3A = arith.constant 0 : index
    %get3A_1 = arith.constant 0 : index
    %get3A_2 = vector.load %arg1[%get3A, %get3A_1] : memref<512x1024xf32, #tpu.memory_space<vmem>>, vector<512x1024xf32>
    %get3A_3 = arith.constant 0 : index
    %get3A_4 = arith.constant 0 : index
    %get3A_5 = vector.load %arg2[%get3A_3, %get3A_4] : memref<1024x256xf32, #tpu.memory_space<vmem>>, vector<1024x256xf32>
    %dot_general3A = arith.constant dense<0.000000e+00> : vector<512x256xf32>
    %dot_general3A_6 = tpu.matmul %get3A_2, %get3A_5, %dot_general3A {dimension_numbers = #tpu.dot_dimension_numbers<[1], [0], [0], [1], [0, 0, 1, 1], [], []>, transpose_lhs_hint = false} : vector<512x1024xf32>, vector<1024x256xf32>, vector<512x256xf32> -> vector<512x256xf32>
    %swap3A = arith.constant 0 : index
    %swap3A_7 = arith.constant 0 : index
    %swap3A_8 = vector.load %arg5[%swap3A, %swap3A_7] : memref<512x256xf32, #tpu.memory_space<vmem>>, vector<512x256xf32>
    tpu.vector_store %arg5[%swap3A, %swap3A_7], %dot_general3A_6 {strides = array<i32>} : memref<512x256xf32, #tpu.memory_space<vmem>>, vector<512x256xf32>,
    %get3A_9 = arith.constant 0 : index
    %get3A_10 = arith.constant 0 : index
    %get3A_11 = vector.load %arg3[%get3A_9, %get3A_10] : memref<256x16xf32, #tpu.memory_space<vmem>>, vector<256x16xf32>
    %dot_general3A_12 = arith.constant dense<0.000000e+00> : vector<512x16xf32>
    %dot_general3A_13 = tpu.matmul %dot_general3A_6, %get3A_11, %dot_general3A_12 {dimension_numbers = #tpu.dot_dimension_numbers<[1], [0], [0], [1], [0, 0, 1, 1], [], []>, transpose_lhs_hint = false} : vector<512x256xf32>, vector<256x16xf32>, vector<512x16xf32> -> vector<512x16xf32>
    %reduce_max3A = arith.constant dense<0xFF800000> : vector<512xf32>
    %reduce_max3A_14 = vector.multi_reduction <maximumf>, %dot_general3A_13, %reduce_max3A [1] : vector<512x16xf32> to vector<512xf32>
    %broadcast_in_dim3A = vector.shape_cast %reduce_max3A_14 : vector<512xf32> to vector<512x1xf32>
    %squeeze3A = vector.shape_cast %broadcast_in_dim3A : vector<512x1xf32> to vector<512xf32>
    %sub3A = vector.broadcast %broadcast_in_dim3A : vector<512x1xf32> to vector<512x16xf32>
    %sub3A_15 = arith.subf %dot_general3A_13, %sub3A : vector<512x16xf32>
    %exp3A = math.exp %sub3A_15 : vector<512x16xf32>
    %reduce_sum3A = arith.constant dense<0.000000e+00> : vector<512xf32>
    %reduce_sum3A_16 = vector.multi_reduction <add>, %exp3A, %reduce_sum3A [1] : vector<512x16xf32> to vector<512xf32>
    %log3A = math.log %reduce_sum3A_16 : vector<512xf32>
    %add3A = arith.addf %squeeze3A, %log3A : vector<512xf32>
    %mul3A_17 = arith.mulf %add3A, %add3A : vector<512xf32>
    %reduce_sum3A_18 = vector.shape_cast %mul3A_17 : vector<512xf32> to vector<1x512xf32>
    %reduce_sum3A_19 = arith.constant dense<0.000000e+00> : vector<1xf32>
    %reduce_sum3A_20 = vector.multi_reduction <add>, %reduce_sum3A_18, %reduce_sum3A_19 [1] : vector<1x512xf32> to vector<1xf32>
    %reduce_sum3A_21 = vector.shape_cast %reduce_sum3A_20 : vector<1xf32> to vector<1x1xf32>
    %reduce_sum3A_22 = vector.extract %reduce_sum3A_21[0, 0] : f32 from vector<1x1xf32>
    %eq3A = arith.constant 0 : i32
    %eq3A_23 = arith.cmpi eq, %arg0, %eq3A : i32
    %convert_element_type3A = arith.extui %eq3A_23 : i1 to i32
    %cond3A = arith.constant 0 : i32
    %cond3A_24 = arith.cmpi ne, %convert_element_type3A, %cond3A : i32
    scf.if %cond3A_24 {
      %reshape3A = vector.broadcast %reduce_sum3A_22 : f32 to vector<1x1xf32>
      %swap3A_141 = arith.constant 0 : index
      %swap3A_142 = arith.constant 0 : index
      %swap3A_143 = vector.load %arg10[%swap3A_141, %swap3A_142] : memref<1x1xf32, #tpu.memory_space<vmem>>, vector<1x1xf32>
      tpu.vector_store %arg10[%swap3A_141, %swap3A_142], %reshape3A {strides = array<i32>} : memref<1x1xf32, #tpu.memory_space<vmem>>, vector<1x1xf32>,
    } else {
    }
    %ne3A = arith.constant 0 : i32
    %ne3A_25 = arith.cmpi ne, %arg0, %ne3A : i32
    %convert_element_type3A_26 = arith.extui %ne3A_25 : i1 to i32
    %cond3A_27 = arith.constant 0 : i32
    %cond3A_28 = arith.cmpi ne, %convert_element_type3A_26, %cond3A_27 : i32
    scf.if %cond3A_28 {
      %get3A_141 = arith.constant 0 : index
      %get3A_142 = arith.constant 0 : index
      %get3A_143 = vector.load %arg10[%get3A_141, %get3A_142] : memref<1x1xf32, #tpu.memory_space<vmem>>, vector<1x1xf32>
      %reshape3A = vector.broadcast %reduce_sum3A_22 : f32 to vector<1x1xf32>
      %add3A_144 = arith.addf %get3A_143, %reshape3A : vector<1x1xf32>
      %swap3A_145 = arith.constant 0 : index
      %swap3A_146 = arith.constant 0 : index
      %swap3A_147 = vector.load %arg10[%swap3A_145, %swap3A_146] : memref<1x1xf32, #tpu.memory_space<vmem>>, vector<1x1xf32>
      tpu.vector_store %arg10[%swap3A_145, %swap3A_146], %add3A_144 {strides = array<i32>} : memref<1x1xf32, #tpu.memory_space<vmem>>, vector<1x1xf32>,
    } else {
    }
    %logistic3A = arith.negf %dot_general3A_13 : vector<512x16xf32>
    %logistic3A_29 = math.exp %logistic3A : vector<512x16xf32>
    %logistic3A_30 = arith.constant 1.000000e+00 : f32
    %logistic3A_31 = vector.broadcast %logistic3A_30 : f32 to vector<512x16xf32>
    %logistic3A_32 = arith.addf %logistic3A_31, %logistic3A_29 : vector<512x16xf32>
    %logistic3A_33 = arith.divf %logistic3A_31, %logistic3A_32 : vector<512x16xf32>
    %get3A_34 = arith.constant 0 : index
    %get3A_35 = arith.constant 0 : index
    %get3A_36 = vector.load %arg4[%get3A_34, %get3A_35] : memref<1x16xf32, #tpu.memory_space<vmem>>, vector<1x16xf32>
    %add3A_37 = vector.broadcast %get3A_36 : vector<1x16xf32> to vector<512x16xf32>
    %add3A_38 = arith.addf %logistic3A_33, %add3A_37 : vector<512x16xf32>
    %iota3A = tpu.iota {dimensions = array<i32: 1>} : vector<512x16xi32>
    %reduce_max3A_39 = arith.constant dense<0xFF800000> : vector<512xf32>
    %reduce_max3A_40 = vector.multi_reduction <maximumf>, %add3A_38, %reduce_max3A_39 [1] : vector<512x16xf32> to vector<512xf32>
    %broadcast_in_dim3A_41 = vector.shape_cast %reduce_max3A_40 : vector<512xf32> to vector<512x1xf32>
    %eq3A_42 = vector.broadcast %broadcast_in_dim3A_41 : vector<512x1xf32> to vector<512x16xf32>
    %eq3A_43 = arith.cmpf oeq, %add3A_38, %eq3A_42 : vector<512x16xf32>
    %jit3A = arith.constant 16 : i32
    %broadcast_in_dim3A_44 = vector.broadcast %jit3A : i32 to vector<512x16xi32>
    %select_n3A = arith.select %eq3A_43, %iota3A, %broadcast_in_dim3A_44 : vector<512x16xi1>, vector<512x16xi32>
    %reduce_min3A = arith.constant dense<2147483647> : vector<512xi32>
    %reduce_min3A_45 = vector.multi_reduction <minsi>, %select_n3A, %reduce_min3A [1] : vector<512x16xi32> to vector<512xi32>
    %broadcast_in_dim3A_46 = vector.shape_cast %reduce_min3A_45 : vector<512xi32> to vector<512x1xi32>
    %eq3A_47 = vector.broadcast %broadcast_in_dim3A_46 : vector<512x1xi32> to vector<512x16xi32>
    %eq3A_48 = arith.cmpi eq, %iota3A, %eq3A_47 : vector<512x16xi32>
    %jit3A_49 = arith.constant -1.000000e+30 : f32
    %broadcast_in_dim3A_50 = vector.broadcast %jit3A_49 : f32 to vector<512x16xf32>
    %select_n3A_51 = arith.select %eq3A_48, %broadcast_in_dim3A_50, %add3A_38 : vector<512x16xi1>, vector<512x16xf32>
    %reduce_max3A_52 = arith.constant dense<0xFF800000> : vector<512xf32>
    %reduce_max3A_53 = vector.multi_reduction <maximumf>, %select_n3A_51, %reduce_max3A_52 [1] : vector<512x16xf32> to vector<512xf32>
    %broadcast_in_dim3A_54 = vector.shape_cast %reduce_max3A_53 : vector<512xf32> to vector<512x1xf32>
    %eq3A_55 = vector.broadcast %broadcast_in_dim3A_54 : vector<512x1xf32> to vector<512x16xf32>
    %eq3A_56 = arith.cmpf oeq, %select_n3A_51, %eq3A_55 : vector<512x16xf32>
    %jit3A_57 = arith.constant 16 : i32
    %broadcast_in_dim3A_58 = vector.broadcast %jit3A_57 : i32 to vector<512x16xi32>
    %select_n3A_59 = arith.select %eq3A_56, %iota3A, %broadcast_in_dim3A_58 : vector<512x16xi1>, vector<512x16xi32>
    %reduce_min3A_60 = arith.constant dense<2147483647> : vector<512xi32>
    %reduce_min3A_61 = vector.multi_reduction <minsi>, %select_n3A_59, %reduce_min3A_60 [1] : vector<512x16xi32> to vector<512xi32>
    %broadcast_in_dim3A_62 = vector.shape_cast %reduce_min3A_61 : vector<512xi32> to vector<512x1xi32>
    %eq3A_63 = vector.broadcast %broadcast_in_dim3A_62 : vector<512x1xi32> to vector<512x16xi32>
    %eq3A_64 = arith.cmpi eq, %iota3A, %eq3A_63 : vector<512x16xi32>
    %jit3A_65 = arith.constant 0.000000e+00 : f32
    %broadcast_in_dim3A_66 = vector.broadcast %jit3A_65 : f32 to vector<512x16xf32>
    %select_n3A_67 = arith.select %eq3A_48, %logistic3A_33, %broadcast_in_dim3A_66 : vector<512x16xi1>, vector<512x16xf32>
    %reduce_sum3A_68 = arith.constant dense<0.000000e+00> : vector<512xf32>
    %reduce_sum3A_69 = vector.multi_reduction <add>, %select_n3A_67, %reduce_sum3A_68 [1] : vector<512x16xf32> to vector<512xf32>
    %jit3A_70 = arith.constant 0.000000e+00 : f32
    %broadcast_in_dim3A_71 = vector.broadcast %jit3A_70 : f32 to vector<512x16xf32>
    %select_n3A_72 = arith.select %eq3A_64, %logistic3A_33, %broadcast_in_dim3A_71 : vector<512x16xi1>, vector<512x16xf32>
    %reduce_sum3A_73 = arith.constant dense<0.000000e+00> : vector<512xf32>
    %reduce_sum3A_74 = vector.multi_reduction <add>, %select_n3A_72, %reduce_sum3A_73 [1] : vector<512x16xf32> to vector<512xf32>
    %add3A_75 = arith.addf %reduce_sum3A_69, %reduce_sum3A_74 : vector<512xf32>
    %add3A_76 = arith.constant 9.99999971E-10 : f32
    %add3A_77 = vector.broadcast %add3A_76 : f32 to vector<512xf32>
    %add3A_78 = arith.addf %add3A_75, %add3A_77 : vector<512xf32>
    %div3A = arith.divf %reduce_sum3A_69, %add3A_78 : vector<512xf32>
    %div3A_79 = arith.divf %reduce_sum3A_74, %add3A_78 : vector<512xf32>
    %broadcast_in_dim3A_80 = vector.shape_cast %reduce_min3A_45 : vector<512xi32> to vector<512x1xi32>
    %broadcast_in_dim3A_81 = vector.shape_cast %reduce_min3A_61 : vector<512xi32> to vector<512x1xi32>
    %concatenate3A = tpu.concatenate %broadcast_in_dim3A_80, %broadcast_in_dim3A_81 in 1 : vector<512x1xi32>, vector<512x1xi32> -> vector<512x2xi32>
    %swap3A_82 = arith.index_cast %mul3A_0 : i32 to index
    %swap3A_83 = arith.constant 0 : index
    %swap3A_84 = vector.load %arg6[%swap3A_82, %swap3A_83] : memref<2048x2xi32, #tpu.memory_space<vmem>>, vector<512x2xi32>
    tpu.vector_store %arg6[%swap3A_82, %swap3A_83], %concatenate3A {strides = array<i32>} : memref<2048x2xi32, #tpu.memory_space<vmem>>, vector<512x2xi32>,
    %broadcast_in_dim3A_85 = vector.shape_cast %div3A : vector<512xf32> to vector<512x1xf32>
    %broadcast_in_dim3A_86 = vector.shape_cast %div3A_79 : vector<512xf32> to vector<512x1xf32>
    %concatenate3A_87 = tpu.concatenate %broadcast_in_dim3A_85, %broadcast_in_dim3A_86 in 1 : vector<512x1xf32>, vector<512x1xf32> -> vector<512x2xf32>
    %swap3A_88 = arith.constant 0 : index
    %swap3A_89 = arith.constant 0 : index
    %swap3A_90 = vector.load %arg7[%swap3A_88, %swap3A_89] : memref<512x2xf32, #tpu.memory_space<vmem>>, vector<512x2xf32>
    tpu.vector_store %arg7[%swap3A_88, %swap3A_89], %concatenate3A_87 {strides = array<i32>} : memref<512x2xf32, #tpu.memory_space<vmem>>, vector<512x2xf32>,
    %convert_element_type3A_91 = arith.extui %eq3A_48 : vector<512x16xi1> to vector<512x16xi32>
    %convert_element_type3A_92 = arith.sitofp %convert_element_type3A_91 : vector<512x16xi32> to vector<512x16xf32>
    %convert_element_type3A_93 = arith.extui %eq3A_64 : vector<512x16xi1> to vector<512x16xi32>
    %convert_element_type3A_94 = arith.sitofp %convert_element_type3A_93 : vector<512x16xi32> to vector<512x16xf32>
    %add3A_95 = arith.addf %convert_element_type3A_92, %convert_element_type3A_94 : vector<512x16xf32>
    %iota3A_96 = tpu.iota {dimensions = array<i32: 0>} : vector<512x512xi32>
    %iota3A_97 = tpu.iota {dimensions = array<i32: 1>} : vector<512x512xi32>
    %ge3A = arith.cmpi sge, %iota3A_96, %iota3A_97 : vector<512x512xi32>
    %convert_element_type3A_98 = arith.extui %ge3A : vector<512x512xi1> to vector<512x512xi32>
    %convert_element_type3A_99 = arith.sitofp %convert_element_type3A_98 : vector<512x512xi32> to vector<512x512xf32>
    %dot_general3A_100 = arith.constant dense<0.000000e+00> : vector<512x16xf32>
    %dot_general3A_101 = tpu.matmul %convert_element_type3A_99, %add3A_95, %dot_general3A_100 {dimension_numbers = #tpu.dot_dimension_numbers<[1], [0], [0], [1], [0, 0, 1, 1], [], []>, transpose_lhs_hint = false} : vector<512x512xf32>, vector<512x16xf32>, vector<512x16xf32> -> vector<512x16xf32>
    %eq3A_102 = arith.constant 0 : i32
    %eq3A_103 = arith.cmpi eq, %arg0, %eq3A_102 : i32
    %convert_element_type3A_104 = arith.extui %eq3A_103 : i1 to i32
    %cond3A_105 = arith.constant 0 : i32
    %cond3A_106 = arith.cmpi ne, %convert_element_type3A_104, %cond3A_105 : i32
    scf.if %cond3A_106 {
      %broadcast_in_dim3A_141 = arith.constant 0.000000e+00 : f32
      %broadcast_in_dim3A_142 = vector.broadcast %broadcast_in_dim3A_141 : f32 to vector<1x16xf32>
      %swap3A_143 = arith.constant 0 : index
      %swap3A_144 = arith.constant 0 : index
      %swap3A_145 = vector.load %arg11[%swap3A_143, %swap3A_144] : memref<1x16xf32, #tpu.memory_space<vmem>>, vector<1x16xf32>
      tpu.vector_store %arg11[%swap3A_143, %swap3A_144], %broadcast_in_dim3A_142 {strides = array<i32>} : memref<1x16xf32, #tpu.memory_space<vmem>>, vector<1x16xf32>,
    } else {
    }
    %get3A_107 = arith.constant 0 : index
    %get3A_108 = arith.constant 0 : index
    %get3A_109 = vector.load %arg11[%get3A_107, %get3A_108] : memref<1x16xf32, #tpu.memory_space<vmem>>, vector<1x16xf32>
    %sub3A_110 = arith.subf %dot_general3A_101, %add3A_95 : vector<512x16xf32>
    %add3A_111 = vector.broadcast %get3A_109 : vector<1x16xf32> to vector<512x16xf32>
    %add3A_112 = arith.addf %sub3A_110, %add3A_111 : vector<512x16xf32>
    %jit3A_113 = arith.constant 0.000000e+00 : f32
    %broadcast_in_dim3A_114 = vector.broadcast %jit3A_113 : f32 to vector<512x16xf32>
    %select_n3A_115 = arith.select %eq3A_48, %add3A_112, %broadcast_in_dim3A_114 : vector<512x16xi1>, vector<512x16xf32>
    %reduce_sum3A_116 = arith.constant dense<0.000000e+00> : vector<512xf32>
    %reduce_sum3A_117 = vector.multi_reduction <add>, %select_n3A_115, %reduce_sum3A_116 [1] : vector<512x16xf32> to vector<512xf32>
    %jit3A_118 = arith.constant 0.000000e+00 : f32
    %broadcast_in_dim3A_119 = vector.broadcast %jit3A_118 : f32 to vector<512x16xf32>
    %select_n3A_120 = arith.select %eq3A_64, %add3A_112, %broadcast_in_dim3A_119 : vector<512x16xi1>, vector<512x16xf32>
    %reduce_sum3A_121 = arith.constant dense<0.000000e+00> : vector<512xf32>
    %reduce_sum3A_122 = vector.multi_reduction <add>, %select_n3A_120, %reduce_sum3A_121 [1] : vector<512x16xf32> to vector<512xf32>
    %broadcast_in_dim3A_123 = vector.shape_cast %reduce_sum3A_117 : vector<512xf32> to vector<512x1xf32>
    %broadcast_in_dim3A_124 = vector.shape_cast %reduce_sum3A_122 : vector<512xf32> to vector<512x1xf32>
    %concatenate3A_125 = tpu.concatenate %broadcast_in_dim3A_123, %broadcast_in_dim3A_124 in 1 : vector<512x1xf32>, vector<512x1xf32> -> vector<512x2xf32>
    %swap3A_126 = arith.index_cast %mul3A_0 : i32 to index
    %swap3A_127 = arith.constant 0 : index
    %swap3A_128 = vector.load %arg12[%swap3A_126, %swap3A_127] : memref<2048x2xf32, #tpu.memory_space<vmem>>, vector<512x2xf32>
    tpu.vector_store %arg12[%swap3A_126, %swap3A_127], %concatenate3A_125 {strides = array<i32>} : memref<2048x2xf32, #tpu.memory_space<vmem>>, vector<512x2xf32>,
    %reduce_sum3A_129 = arith.constant dense<0.000000e+00> : vector<16xf32>
    %reduce_sum3A_130 = vector.multi_reduction <add>, %add3A_95, %reduce_sum3A_129 [0] : vector<512x16xf32> to vector<16xf32>
    %broadcast_in_dim3A_131 = vector.shape_cast %reduce_sum3A_130 : vector<16xf32> to vector<1x16xf32>
    %add3A_132 = arith.addf %get3A_109, %broadcast_in_dim3A_131 : vector<1x16xf32>
    %swap3A_133 = arith.constant 0 : index
    %swap3A_134 = arith.constant 0 : index
    %swap3A_135 = vector.load %arg11[%swap3A_133, %swap3A_134] : memref<1x16xf32, #tpu.memory_space<vmem>>, vector<1x16xf32>
    tpu.vector_store %arg11[%swap3A_133, %swap3A_134], %add3A_132 {strides = array<i32>} : memref<1x16xf32, #tpu.memory_space<vmem>>, vector<1x16xf32>,
    %eq3A_136 = arith.constant 3 : i32
    %eq3A_137 = arith.cmpi eq, %arg0, %eq3A_136 : i32
    %convert_element_type3A_138 = arith.extui %eq3A_137 : i1 to i32
    %cond3A_139 = arith.constant 0 : i32
    %cond3A_140 = arith.cmpi ne, %convert_element_type3A_138, %cond3A_139 : i32
    scf.if %cond3A_140 {
      %add3A_141 = arith.constant 2.550000e+02 : f32
      %add3A_142 = vector.broadcast %add3A_141 : f32 to vector<1x16xf32>
      %add3A_143 = arith.addf %add3A_132, %add3A_142 : vector<1x16xf32>
      %mul3A_144 = arith.constant 3.906250e-03 : f32
      %mul3A_145 = vector.broadcast %mul3A_144 : f32 to vector<1x16xf32>
      %mul3A_146 = arith.mulf %add3A_143, %mul3A_145 : vector<1x16xf32>
      %floor3A = math.floor %mul3A_146 : vector<1x16xf32>
      %mul3A_147 = arith.constant 2.560000e+02 : f32
      %mul3A_148 = vector.broadcast %mul3A_147 : f32 to vector<1x16xf32>
      %mul3A_149 = arith.mulf %floor3A, %mul3A_148 : vector<1x16xf32>
      %iota3A_150 = tpu.iota {dimensions = array<i32: 0>} : vector<16x16xi32>
      %iota3A_151 = tpu.iota {dimensions = array<i32: 1>} : vector<16x16xi32>
      %lt3A = arith.cmpi slt, %iota3A_150, %iota3A_151 : vector<16x16xi32>
      %convert_element_type3A_152 = arith.extui %lt3A : vector<16x16xi1> to vector<16x16xi32>
      %convert_element_type3A_153 = arith.sitofp %convert_element_type3A_152 : vector<16x16xi32> to vector<16x16xf32>
      %broadcast_in_dim3A_154 = vector.shape_cast %mul3A_149 : vector<1x16xf32> to vector<1x16xf32>
      %broadcast_in_dim3A_155 = vector.broadcast %broadcast_in_dim3A_154 : vector<1x16xf32> to vector<8x16xf32>
      %dot_general3A_156 = arith.constant dense<0.000000e+00> : vector<8x16xf32>
      %dot_general3A_157 = tpu.matmul %broadcast_in_dim3A_155, %convert_element_type3A_153, %dot_general3A_156 {dimension_numbers = #tpu.dot_dimension_numbers<[1], [0], [0], [1], [0, 0, 1, 1], [], []>, precision = #tpu.contract_precision<fp32>, transpose_lhs_hint = false} : vector<8x16xf32>, vector<16x16xf32>, vector<8x16xf32> -> vector<8x16xf32>
      %slice3A = vector.extract_strided_slice %dot_general3A_157 {offsets = [0, 0], sizes = [1, 16], strides = [1, 1]} : vector<8x16xf32> to vector<1x16xf32>
      %add3A_158 = arith.addf %slice3A, %mul3A_149 : vector<1x16xf32>
      %get3A_159 = arith.constant 0 : index
      %get3A_160 = arith.constant 0 : index
      %get3A_161 = vector.load %arg6[%get3A_159, %get3A_160] : memref<2048x2xi32, #tpu.memory_space<vmem>>, vector<2048x2xi32>
      %get3A_162 = arith.constant 0 : index
      %get3A_163 = arith.constant 0 : index
      %get3A_164 = vector.load %arg12[%get3A_162, %get3A_163] : memref<2048x2xf32, #tpu.memory_space<vmem>>, vector<2048x2xf32>
      %iota3A_165 = tpu.iota {dimensions = array<i32: 1>} : vector<2048x16xi32>
      %broadcast_in_dim3A_166 = vector.shape_cast %slice3A : vector<1x16xf32> to vector<1x16xf32>
      %broadcast_in_dim3A_167 = vector.broadcast %broadcast_in_dim3A_166 : vector<1x16xf32> to vector<2048x16xf32>
      %slice3A_168 = vector.extract_strided_slice %get3A_161 {offsets = [0, 0], sizes = [2048, 1], strides = [1, 1]} : vector<2048x2xi32> to vector<2048x1xi32>
      %squeeze3A_169 = vector.shape_cast %slice3A_168 : vector<2048x1xi32> to vector<2048xi32>
      %broadcast_in_dim3A_170 = vector.shape_cast %squeeze3A_169 : vector<2048xi32> to vector<2048x1xi32>
      %eq3A_171 = vector.broadcast %broadcast_in_dim3A_170 : vector<2048x1xi32> to vector<2048x16xi32>
      %eq3A_172 = arith.cmpi eq, %iota3A_165, %eq3A_171 : vector<2048x16xi32>
      %jit3A_173 = arith.constant 0.000000e+00 : f32
      %broadcast_in_dim3A_174 = vector.broadcast %jit3A_173 : f32 to vector<2048x16xf32>
      %select_n3A_175 = arith.select %eq3A_172, %broadcast_in_dim3A_167, %broadcast_in_dim3A_174 : vector<2048x16xi1>, vector<2048x16xf32>
      %reduce_sum3A_176 = arith.constant dense<0.000000e+00> : vector<2048xf32>
      %reduce_sum3A_177 = vector.multi_reduction <add>, %select_n3A_175, %reduce_sum3A_176 [1] : vector<2048x16xf32> to vector<2048xf32>
      %slice3A_178 = vector.extract_strided_slice %get3A_164 {offsets = [0, 0], sizes = [2048, 1], strides = [1, 1]} : vector<2048x2xf32> to vector<2048x1xf32>
      %squeeze3A_179 = vector.shape_cast %slice3A_178 : vector<2048x1xf32> to vector<2048xf32>
      %add3A_180 = arith.addf %reduce_sum3A_177, %squeeze3A_179 : vector<2048xf32>
      %slice3A_181 = vector.extract_strided_slice %get3A_161 {offsets = [0, 1], sizes = [2048, 1], strides = [1, 1]} : vector<2048x2xi32> to vector<2048x1xi32>
      %squeeze3A_182 = vector.shape_cast %slice3A_181 : vector<2048x1xi32> to vector<2048xi32>
      %broadcast_in_dim3A_183 = vector.shape_cast %squeeze3A_182 : vector<2048xi32> to vector<2048x1xi32>
      %eq3A_184 = vector.broadcast %broadcast_in_dim3A_183 : vector<2048x1xi32> to vector<2048x16xi32>
      %eq3A_185 = arith.cmpi eq, %iota3A_165, %eq3A_184 : vector<2048x16xi32>
      %jit3A_186 = arith.constant 0.000000e+00 : f32
      %broadcast_in_dim3A_187 = vector.broadcast %jit3A_186 : f32 to vector<2048x16xf32>
      %select_n3A_188 = arith.select %eq3A_185, %broadcast_in_dim3A_167, %broadcast_in_dim3A_187 : vector<2048x16xi1>, vector<2048x16xf32>
      %reduce_sum3A_189 = arith.constant dense<0.000000e+00> : vector<2048xf32>
      %reduce_sum3A_190 = vector.multi_reduction <add>, %select_n3A_188, %reduce_sum3A_189 [1] : vector<2048x16xf32> to vector<2048xf32>
      %slice3A_191 = vector.extract_strided_slice %get3A_164 {offsets = [0, 1], sizes = [2048, 1], strides = [1, 1]} : vector<2048x2xf32> to vector<2048x1xf32>
      %squeeze3A_192 = vector.shape_cast %slice3A_191 : vector<2048x1xf32> to vector<2048xf32>
      %add3A_193 = arith.addf %reduce_sum3A_190, %squeeze3A_192 : vector<2048xf32>
      %broadcast_in_dim3A_194 = vector.shape_cast %add3A_180 : vector<2048xf32> to vector<2048x1xf32>
      %broadcast_in_dim3A_195 = vector.shape_cast %add3A_193 : vector<2048xf32> to vector<2048x1xf32>
      %concatenate3A_196 = tpu.concatenate %broadcast_in_dim3A_194, %broadcast_in_dim3A_195 in 1 : vector<2048x1xf32>, vector<2048x1xf32> -> vector<2048x2xf32>
      %convert_element_type3A_197 = arith.fptosi %concatenate3A_196 : vector<2048x2xf32> to vector<2048x2xi32>
      %swap3A_198 = arith.constant 0 : index
      %swap3A_199 = arith.constant 0 : index
      %swap3A_200 = vector.load %arg8[%swap3A_198, %swap3A_199] : memref<2048x2xi32, #tpu.memory_space<vmem>>, vector<2048x2xi32>
      tpu.vector_store %arg8[%swap3A_198, %swap3A_199], %convert_element_type3A_197 {strides = array<i32>} : memref<2048x2xi32, #tpu.memory_space<vmem>>, vector<2048x2xi32>,
      %iota3A_201 = tpu.iota {dimensions = array<i32: 0>} : vector<48x1xi32>
      %convert_element_type3A_202 = arith.sitofp %iota3A_201 : vector<48x1xi32> to vector<48x1xf32>
      %mul3A_203 = arith.constant 2.560000e+02 : f32
      %mul3A_204 = vector.broadcast %mul3A_203 : f32 to vector<48x1xf32>
      %mul3A_205 = arith.mulf %convert_element_type3A_202, %mul3A_204 : vector<48x1xf32>
      %broadcast_in_dim3A_206 = vector.shape_cast %add3A_158 : vector<1x16xf32> to vector<1x16xf32>
      %broadcast_in_dim3A_207 = vector.broadcast %broadcast_in_dim3A_206 : vector<1x16xf32> to vector<48x16xf32>
      %le3A = vector.broadcast %mul3A_205 : vector<48x1xf32> to vector<48x16xf32>
      %le3A_208 = arith.cmpf ole, %broadcast_in_dim3A_207, %le3A : vector<48x16xf32>
      %convert_element_type3A_209 = arith.extui %le3A_208 : vector<48x16xi1> to vector<48x16xi32>
      %convert_element_type3A_210 = arith.sitofp %convert_element_type3A_209 : vector<48x16xi32> to vector<48x16xf32>
      %reduce_sum3A_211 = arith.constant dense<0.000000e+00> : vector<48xf32>
      %reduce_sum3A_212 = vector.multi_reduction <add>, %convert_element_type3A_210, %reduce_sum3A_211 [1] : vector<48x16xf32> to vector<48xf32>
      %broadcast_in_dim3A_213 = vector.shape_cast %reduce_sum3A_212 : vector<48xf32> to vector<48x1xf32>
      %min3A = arith.constant 1.500000e+01 : f32
      %min3A_214 = vector.broadcast %min3A : f32 to vector<48x1xf32>
      %min3A_215 = arith.minimumf %broadcast_in_dim3A_213, %min3A_214 : vector<48x1xf32>
      %slice3A_216 = vector.extract_strided_slice %add3A_158 {offsets = [0, 15], sizes = [1, 1], strides = [1, 1]} : vector<1x16xf32> to vector<1x1xf32>
      %mul3A_217 = arith.constant 3.906250e-03 : f32
      %mul3A_218 = vector.broadcast %mul3A_217 : f32 to vector<1x1xf32>
      %mul3A_219 = arith.mulf %slice3A_216, %mul3A_218 : vector<1x1xf32>
      %eq3A_220 = arith.constant 32 : i32
      %eq3A_221 = vector.broadcast %eq3A_220 : i32 to vector<48x1xi32>
      %eq3A_222 = arith.cmpi eq, %iota3A_201, %eq3A_221 : vector<48x1xi32>
      %broadcast_in_dim3A_223 = vector.shape_cast %mul3A_219 : vector<1x1xf32> to vector<1x1xf32>
      %broadcast_in_dim3A_224 = vector.broadcast %broadcast_in_dim3A_223 : vector<1x1xf32> to vector<48x1xf32>
      %select_n3A_225 = arith.select %eq3A_222, %broadcast_in_dim3A_224, %min3A_215 : vector<48x1xi1>, vector<48x1xf32>
      %convert_element_type3A_226 = arith.fptosi %select_n3A_225 : vector<48x1xf32> to vector<48x1xi32>
      %swap3A_227 = arith.constant 0 : index
      %swap3A_228 = arith.constant 0 : index
      %swap3A_229 = vector.load %arg9[%swap3A_227, %swap3A_228] : memref<48x1xi32, #tpu.memory_space<vmem>>, vector<48x1xi32>
      tpu.vector_store %arg9[%swap3A_227, %swap3A_228], %convert_element_type3A_226 {strides = array<i32>} : memref<48x1xi32, #tpu.memory_space<vmem>>, vector<48x1xi32>,
    } else {
    }
    return
  }
  func.func @transform_0(%arg0: i32) -> (i32, i32) {
    %c0_i32 = arith.constant 0 : i32
    %c0_i32_0 = arith.constant 0 : i32
    return %arg0, %c0_i32 : i32, i32
  }
  func.func @transform_1(%arg0: i32) -> (i32, i32) {
    %c0_i32 = arith.constant 0 : i32
    %c0_i32_0 = arith.constant 0 : i32
    %c0_i32_1 = arith.constant 0 : i32
    return %c0_i32, %c0_i32_0 : i32, i32
  }
  func.func @transform_2(%arg0: i32) -> (i32, i32) {
    %c0_i32 = arith.constant 0 : i32
    %c0_i32_0 = arith.constant 0 : i32
    %c0_i32_1 = arith.constant 0 : i32
    return %c0_i32, %c0_i32_0 : i32, i32
  }
  func.func @transform_3(%arg0: i32) -> (i32, i32) {
    %c0_i32 = arith.constant 0 : i32
    %c0_i32_0 = arith.constant 0 : i32
    %c0_i32_1 = arith.constant 0 : i32
    return %c0_i32, %c0_i32_0 : i32, i32
  }
  func.func @transform_4(%arg0: i32) -> (i32, i32) {
    %c0_i32 = arith.constant 0 : i32
    %c0_i32_0 = arith.constant 0 : i32
    return %arg0, %c0_i32 : i32, i32
  }
  func.func @transform_5(%arg0: i32) -> (i32, i32) {
    %c0_i32 = arith.constant 0 : i32
    %c0_i32_0 = arith.constant 0 : i32
    %c0_i32_1 = arith.constant 0 : i32
    return %c0_i32, %c0_i32_0 : i32, i32
  }
  func.func @transform_6(%arg0: i32) -> (i32, i32) {
    %c0_i32 = arith.constant 0 : i32
    %c0_i32_0 = arith.constant 0 : i32
    return %arg0, %c0_i32 : i32, i32
  }
  func.func @transform_7(%arg0: i32) -> (i32, i32) {
    %c0_i32 = arith.constant 0 : i32
    %c0_i32_0 = arith.constant 0 : i32
    %c0_i32_1 = arith.constant 0 : i32
    return %c0_i32, %c0_i32_0 : i32, i32
  }
  func.func @transform_8(%arg0: i32) -> (i32, i32) {
    %c0_i32 = arith.constant 0 : i32
    %c0_i32_0 = arith.constant 0 : i32
    %c0_i32_1 = arith.constant 0 : i32
    return %c0_i32, %c0_i32_0 : i32, i32
  }
  func.func @transform_9(%arg0: i32) -> (i32, i32) {
    %c0_i32 = arith.constant 0 : i32
    %c0_i32_0 = arith.constant 0 : i32
    %c0_i32_1 = arith.constant 0 : i32
    return %c0_i32, %c0_i32_0 : i32, i32
  }
}

module attributes {stable_mosaic.version = 14 : i64} {
  func.func @_expert_kernel(%arg0: i32, %arg1: memref<48x1xi32, #tpu.memory_space<smem>>, %arg2: memref<256x256xf32, #tpu.memory_space<vmem>>, %arg3: memref<1x256x1024xf32, #tpu.memory_space<vmem>>, %arg4: memref<1x512x256xf32, #tpu.memory_space<vmem>>, %arg5: memref<256x256xf32, #tpu.memory_space<vmem>>) attributes {dimension_semantics = [#tpu.dimension_semantics<arbitrary>], iteration_bounds = array<i64: 32>, scalar_prefetch = 1 : i64, scratch_operands = 0 : i64, tpu.core_type = #tpu.core_type<tc>, window_params = [{transform_indices = @transform_0, window_bounds = array<i64: 256, 256>}, {transform_indices = @transform_1, window_bounds = array<i64: 1, 256, 1024>}, {transform_indices = @transform_2, window_bounds = array<i64: 1, 512, 256>}, {transform_indices = @transform_3, window_bounds = array<i64: 256, 256>}]} {
    %get3A = arith.constant 32 : index
    %get3A_0 = arith.constant 0 : index
    %get3A_1 = memref.load %arg1[%get3A, %get3A_0] : memref<48x1xi32, #tpu.memory_space<smem>>
    %lt3A = arith.cmpi slt, %arg0, %get3A_1 : i32
    %convert_element_type3A = arith.extui %lt3A : i1 to i32
    %cond3A = arith.constant 0 : i32
    %cond3A_2 = arith.cmpi ne, %convert_element_type3A, %cond3A : i32
    scf.if %cond3A_2 {
      %get3A_3 = arith.constant 0 : index
      %get3A_4 = arith.constant 0 : index
      %get3A_5 = vector.load %arg2[%get3A_3, %get3A_4] : memref<256x256xf32, #tpu.memory_space<vmem>>, vector<256x256xf32>
      %convert_element_type3A_6 = arith.truncf %get3A_5 : vector<256x256xf32> to vector<256x256xbf16>
      %get3A_7 = arith.constant 0 : index
      %get3A_8 = arith.constant 0 : index
      %get3A_9 = arith.constant 0 : index
      %get3A_10 = vector.load %arg3[%get3A_7, %get3A_8, %get3A_9] : memref<1x256x1024xf32, #tpu.memory_space<vmem>>, vector<1x256x1024xf32>
      %get3A_11 = vector.shape_cast %get3A_10 : vector<1x256x1024xf32> to vector<256x1024xf32>
      %convert_element_type3A_12 = arith.truncf %get3A_11 : vector<256x1024xf32> to vector<256x1024xbf16>
      %dot_general3A = arith.constant dense<0.000000e+00> : vector<256x1024xf32>
      %dot_general3A_13 = tpu.matmul %convert_element_type3A_6, %convert_element_type3A_12, %dot_general3A {dimension_numbers = #tpu.dot_dimension_numbers<[1], [0], [0], [1], [0, 0, 1, 1], [], []>, transpose_lhs_hint = false} : vector<256x256xbf16>, vector<256x1024xbf16>, vector<256x1024xf32> -> vector<256x1024xf32>
      %slice3A = vector.extract_strided_slice %dot_general3A_13 {offsets = [0, 0], sizes = [256, 512], strides = [1, 1]} : vector<256x1024xf32> to vector<256x512xf32>
      %logistic3A = arith.negf %slice3A : vector<256x512xf32>
      %logistic3A_14 = math.exp %logistic3A : vector<256x512xf32>
      %logistic3A_15 = arith.constant 1.000000e+00 : f32
      %logistic3A_16 = vector.broadcast %logistic3A_15 : f32 to vector<256x512xf32>
      %logistic3A_17 = arith.addf %logistic3A_16, %logistic3A_14 : vector<256x512xf32>
      %logistic3A_18 = arith.divf %logistic3A_16, %logistic3A_17 : vector<256x512xf32>
      %mul3A = arith.mulf %slice3A, %logistic3A_18 : vector<256x512xf32>
      %slice3A_19 = vector.extract_strided_slice %dot_general3A_13 {offsets = [0, 512], sizes = [256, 512], strides = [1, 1]} : vector<256x1024xf32> to vector<256x512xf32>
      %mul3A_20 = arith.mulf %mul3A, %slice3A_19 : vector<256x512xf32>
      %convert_element_type3A_21 = arith.truncf %mul3A_20 : vector<256x512xf32> to vector<256x512xbf16>
      %get3A_22 = arith.constant 0 : index
      %get3A_23 = arith.constant 0 : index
      %get3A_24 = arith.constant 0 : index
      %get3A_25 = vector.load %arg4[%get3A_22, %get3A_23, %get3A_24] : memref<1x512x256xf32, #tpu.memory_space<vmem>>, vector<1x512x256xf32>
      %get3A_26 = vector.shape_cast %get3A_25 : vector<1x512x256xf32> to vector<512x256xf32>
      %convert_element_type3A_27 = arith.truncf %get3A_26 : vector<512x256xf32> to vector<512x256xbf16>
      %dot_general3A_28 = arith.constant dense<0.000000e+00> : vector<256x256xf32>
      %dot_general3A_29 = tpu.matmul %convert_element_type3A_21, %convert_element_type3A_27, %dot_general3A_28 {dimension_numbers = #tpu.dot_dimension_numbers<[1], [0], [0], [1], [0, 0, 1, 1], [], []>, transpose_lhs_hint = false} : vector<256x512xbf16>, vector<512x256xbf16>, vector<256x256xf32> -> vector<256x256xf32>
      %swap3A = arith.constant 0 : index
      %swap3A_30 = arith.constant 0 : index
      %swap3A_31 = vector.load %arg5[%swap3A, %swap3A_30] : memref<256x256xf32, #tpu.memory_space<vmem>>, vector<256x256xf32>
      tpu.vector_store %arg5[%swap3A, %swap3A_30], %dot_general3A_29 {strides = array<i32>} : memref<256x256xf32, #tpu.memory_space<vmem>>, vector<256x256xf32>,
    } else {
    }
    return
  }
  func.func @transform_0(%arg0: i32, %arg1: memref<48x1xi32, #tpu.memory_space<smem>>) -> (i32, i32) {
    %c0_i32 = arith.constant 0 : i32
    %c0_i32_0 = arith.constant 0 : i32
    return %arg0, %c0_i32 : i32, i32
  }
  func.func @transform_1(%arg0: i32, %arg1: memref<48x1xi32, #tpu.memory_space<smem>>) -> (i32, i32, i32) {
    %get3A = arith.index_cast %arg0 : i32 to index
    %get3A_0 = arith.constant 0 : index
    %get3A_1 = memref.load %arg1[%get3A, %get3A_0] : memref<48x1xi32, #tpu.memory_space<smem>>
    %c0_i32 = arith.constant 0 : i32
    %c0_i32_2 = arith.constant 0 : i32
    %c0_i32_3 = arith.constant 0 : i32
    return %get3A_1, %c0_i32, %c0_i32_2 : i32, i32, i32
  }
  func.func @transform_2(%arg0: i32, %arg1: memref<48x1xi32, #tpu.memory_space<smem>>) -> (i32, i32, i32) {
    %get3A = arith.index_cast %arg0 : i32 to index
    %get3A_0 = arith.constant 0 : index
    %get3A_1 = memref.load %arg1[%get3A, %get3A_0] : memref<48x1xi32, #tpu.memory_space<smem>>
    %c0_i32 = arith.constant 0 : i32
    %c0_i32_2 = arith.constant 0 : i32
    %c0_i32_3 = arith.constant 0 : i32
    return %get3A_1, %c0_i32, %c0_i32_2 : i32, i32, i32
  }
  func.func @transform_3(%arg0: i32, %arg1: memref<48x1xi32, #tpu.memory_space<smem>>) -> (i32, i32) {
    %c0_i32 = arith.constant 0 : i32
    %c0_i32_0 = arith.constant 0 : i32
    return %arg0, %c0_i32 : i32, i32
  }
}

module attributes {stable_mosaic.version = 14 : i64} {
  func.func @_final_kernel(%arg0: i32, %arg1: memref<512x1024xf32, #tpu.memory_space<vmem>>, %arg2: memref<512x256xf32, #tpu.memory_space<vmem>>, %arg3: memref<512x256xf32, #tpu.memory_space<vmem>>, %arg4: memref<512x2xf32, #tpu.memory_space<vmem>>, %arg5: memref<1024x2048xf32, #tpu.memory_space<vmem>>, %arg6: memref<1024x1024xf32, #tpu.memory_space<vmem>>, %arg7: memref<256x1024xf32, #tpu.memory_space<vmem>>, %arg8: memref<512x1024xf32, #tpu.memory_space<vmem>>, %arg9: memref<1024x2048xbf16, #tpu.memory_space<vmem>>, %arg10: memref<1024x1024xbf16, #tpu.memory_space<vmem>>, %arg11: memref<256x1024xbf16, #tpu.memory_space<vmem>>) attributes {dimension_semantics = [#tpu.dimension_semantics<arbitrary>], iteration_bounds = array<i64: 4>, scalar_prefetch = 0 : i64, scratch_operands = 3 : i64, tpu.core_type = #tpu.core_type<tc>, window_params = [{transform_indices = @transform_0, window_bounds = array<i64: 512, 1024>}, {transform_indices = @transform_1, window_bounds = array<i64: 512, 256>}, {transform_indices = @transform_2, window_bounds = array<i64: 512, 256>}, {transform_indices = @transform_3, window_bounds = array<i64: 512, 2>}, {pipeline_mode = #tpu.pipeline_mode<synchronous>, transform_indices = @transform_4, window_bounds = array<i64: 1024, 2048>}, {pipeline_mode = #tpu.pipeline_mode<synchronous>, transform_indices = @transform_5, window_bounds = array<i64: 1024, 1024>}, {pipeline_mode = #tpu.pipeline_mode<synchronous>, transform_indices = @transform_6, window_bounds = array<i64: 256, 1024>}, {transform_indices = @transform_7, window_bounds = array<i64: 512, 1024>}]} {
    %eq3A = arith.constant 0 : i32
    %eq3A_0 = arith.cmpi eq, %arg0, %eq3A : i32
    %convert_element_type3A = arith.extui %eq3A_0 : i1 to i32
    %cond3A = arith.constant 0 : i32
    %cond3A_1 = arith.cmpi ne, %convert_element_type3A, %cond3A : i32
    scf.if %cond3A_1 {
      %get3A_76 = arith.constant 0 : index
      %get3A_77 = arith.constant 0 : index
      %get3A_78 = vector.load %arg5[%get3A_76, %get3A_77] : memref<1024x2048xf32, #tpu.memory_space<vmem>>, vector<1024x2048xf32>
      %convert_element_type3A_79 = arith.truncf %get3A_78 : vector<1024x2048xf32> to vector<1024x2048xbf16>
      %swap3A_80 = arith.constant 0 : index
      %swap3A_81 = arith.constant 0 : index
      %swap3A_82 = vector.load %arg9[%swap3A_80, %swap3A_81] : memref<1024x2048xbf16, #tpu.memory_space<vmem>>, vector<1024x2048xbf16>
      tpu.vector_store %arg9[%swap3A_80, %swap3A_81], %convert_element_type3A_79 {strides = array<i32>} : memref<1024x2048xbf16, #tpu.memory_space<vmem>>, vector<1024x2048xbf16>,
      %get3A_83 = arith.constant 0 : index
      %get3A_84 = arith.constant 0 : index
      %get3A_85 = vector.load %arg6[%get3A_83, %get3A_84] : memref<1024x1024xf32, #tpu.memory_space<vmem>>, vector<1024x1024xf32>
      %convert_element_type3A_86 = arith.truncf %get3A_85 : vector<1024x1024xf32> to vector<1024x1024xbf16>
      %swap3A_87 = arith.constant 0 : index
      %swap3A_88 = arith.constant 0 : index
      %swap3A_89 = vector.load %arg10[%swap3A_87, %swap3A_88] : memref<1024x1024xbf16, #tpu.memory_space<vmem>>, vector<1024x1024xbf16>
      tpu.vector_store %arg10[%swap3A_87, %swap3A_88], %convert_element_type3A_86 {strides = array<i32>} : memref<1024x1024xbf16, #tpu.memory_space<vmem>>, vector<1024x1024xbf16>,
      %get3A_90 = arith.constant 0 : index
      %get3A_91 = arith.constant 0 : index
      %get3A_92 = vector.load %arg7[%get3A_90, %get3A_91] : memref<256x1024xf32, #tpu.memory_space<vmem>>, vector<256x1024xf32>
      %convert_element_type3A_93 = arith.truncf %get3A_92 : vector<256x1024xf32> to vector<256x1024xbf16>
      %swap3A_94 = arith.constant 0 : index
      %swap3A_95 = arith.constant 0 : index
      %swap3A_96 = vector.load %arg11[%swap3A_94, %swap3A_95] : memref<256x1024xbf16, #tpu.memory_space<vmem>>, vector<256x1024xbf16>
      tpu.vector_store %arg11[%swap3A_94, %swap3A_95], %convert_element_type3A_93 {strides = array<i32>} : memref<256x1024xbf16, #tpu.memory_space<vmem>>, vector<256x1024xbf16>,
    } else {
    }
    %get3A = arith.constant 0 : index
    %get3A_2 = arith.constant 0 : index
    %get3A_3 = vector.load %arg1[%get3A, %get3A_2] : memref<512x1024xf32, #tpu.memory_space<vmem>>, vector<512x1024xf32>
    %convert_element_type3A_4 = arith.truncf %get3A_3 : vector<512x1024xf32> to vector<512x1024xbf16>
    %get3A_5 = arith.constant 0 : index
    %get3A_6 = arith.constant 0 : index
    %get3A_7 = vector.load %arg4[%get3A_5, %get3A_6] : memref<512x2xf32, #tpu.memory_space<vmem>>, vector<512x1xf32>
    %get3A_8 = arith.constant 0 : index
    %get3A_9 = arith.constant 1 : index
    %get3A_10 = vector.load %arg4[%get3A_8, %get3A_9] : memref<512x2xf32, #tpu.memory_space<vmem>>, vector<512x1xf32>
    %get3A_11 = arith.constant 0 : index
    %get3A_12 = arith.constant 0 : index
    %get3A_13 = vector.load %arg2[%get3A_11, %get3A_12] : memref<512x256xf32, #tpu.memory_space<vmem>>, vector<512x256xf32>
    %mul3A = vector.broadcast %get3A_7 : vector<512x1xf32> to vector<512x256xf32>
    %mul3A_14 = arith.mulf %mul3A, %get3A_13 : vector<512x256xf32>
    %get3A_15 = arith.constant 0 : index
    %get3A_16 = arith.constant 0 : index
    %get3A_17 = vector.load %arg3[%get3A_15, %get3A_16] : memref<512x256xf32, #tpu.memory_space<vmem>>, vector<512x256xf32>
    %mul3A_18 = vector.broadcast %get3A_10 : vector<512x1xf32> to vector<512x256xf32>
    %mul3A_19 = arith.mulf %mul3A_18, %get3A_17 : vector<512x256xf32>
    %add3A = arith.addf %mul3A_14, %mul3A_19 : vector<512x256xf32>
    %convert_element_type3A_20 = arith.truncf %add3A : vector<512x256xf32> to vector<512x256xbf16>
    %get3A_21 = arith.constant 0 : index
    %get3A_22 = arith.constant 0 : index
    %get3A_23 = vector.load %arg11[%get3A_21, %get3A_22] : memref<256x1024xbf16, #tpu.memory_space<vmem>>, vector<256x1024xbf16>
    %dot_general3A = arith.constant dense<0.000000e+00> : vector<512x1024xf32>
    %dot_general3A_24 = tpu.matmul %convert_element_type3A_20, %get3A_23, %dot_general3A {dimension_numbers = #tpu.dot_dimension_numbers<[1], [0], [0], [1], [0, 0, 1, 1], [], []>, transpose_lhs_hint = false} : vector<512x256xbf16>, vector<256x1024xbf16>, vector<512x1024xf32> -> vector<512x1024xf32>
    %get3A_25 = arith.constant 0 : index
    %get3A_26 = arith.constant 0 : index
    %get3A_27 = vector.load %arg9[%get3A_25, %get3A_26] : memref<1024x2048xbf16, #tpu.memory_space<vmem>>, vector<1024x512xbf16>
    %dot_general3A_28 = arith.constant dense<0.000000e+00> : vector<512x512xf32>
    %dot_general3A_29 = tpu.matmul %convert_element_type3A_4, %get3A_27, %dot_general3A_28 {dimension_numbers = #tpu.dot_dimension_numbers<[1], [0], [0], [1], [0, 0, 1, 1], [], []>, transpose_lhs_hint = false} : vector<512x1024xbf16>, vector<1024x512xbf16>, vector<512x512xf32> -> vector<512x512xf32>
    %get3A_30 = arith.constant 0 : index
    %get3A_31 = arith.constant 1024 : index
    %get3A_32 = vector.load %arg9[%get3A_30, %get3A_31] : memref<1024x2048xbf16, #tpu.memory_space<vmem>>, vector<1024x512xbf16>
    %dot_general3A_33 = arith.constant dense<0.000000e+00> : vector<512x512xf32>
    %dot_general3A_34 = tpu.matmul %convert_element_type3A_4, %get3A_32, %dot_general3A_33 {dimension_numbers = #tpu.dot_dimension_numbers<[1], [0], [0], [1], [0, 0, 1, 1], [], []>, transpose_lhs_hint = false} : vector<512x1024xbf16>, vector<1024x512xbf16>, vector<512x512xf32> -> vector<512x512xf32>
    %logistic3A = arith.negf %dot_general3A_29 : vector<512x512xf32>
    %logistic3A_35 = math.exp %logistic3A : vector<512x512xf32>
    %logistic3A_36 = arith.constant 1.000000e+00 : f32
    %logistic3A_37 = vector.broadcast %logistic3A_36 : f32 to vector<512x512xf32>
    %logistic3A_38 = arith.addf %logistic3A_37, %logistic3A_35 : vector<512x512xf32>
    %logistic3A_39 = arith.divf %logistic3A_37, %logistic3A_38 : vector<512x512xf32>
    %mul3A_40 = arith.mulf %dot_general3A_29, %logistic3A_39 : vector<512x512xf32>
    %mul3A_41 = arith.mulf %mul3A_40, %dot_general3A_34 : vector<512x512xf32>
    %convert_element_type3A_42 = arith.truncf %mul3A_41 : vector<512x512xf32> to vector<512x512xbf16>
    %get3A_43 = arith.constant 0 : index
    %get3A_44 = arith.constant 0 : index
    %get3A_45 = vector.load %arg10[%get3A_43, %get3A_44] : memref<1024x1024xbf16, #tpu.memory_space<vmem>>, vector<512x1024xbf16>
    %dot_general3A_46 = arith.constant dense<0.000000e+00> : vector<512x1024xf32>
    %dot_general3A_47 = tpu.matmul %convert_element_type3A_42, %get3A_45, %dot_general3A_46 {dimension_numbers = #tpu.dot_dimension_numbers<[1], [0], [0], [1], [0, 0, 1, 1], [], []>, transpose_lhs_hint = false} : vector<512x512xbf16>, vector<512x1024xbf16>, vector<512x1024xf32> -> vector<512x1024xf32>
    %add3A_48 = arith.addf %dot_general3A_24, %dot_general3A_47 : vector<512x1024xf32>
    %get3A_49 = arith.constant 0 : index
    %get3A_50 = arith.constant 512 : index
    %get3A_51 = vector.load %arg9[%get3A_49, %get3A_50] : memref<1024x2048xbf16, #tpu.memory_space<vmem>>, vector<1024x512xbf16>
    %dot_general3A_52 = arith.constant dense<0.000000e+00> : vector<512x512xf32>
    %dot_general3A_53 = tpu.matmul %convert_element_type3A_4, %get3A_51, %dot_general3A_52 {dimension_numbers = #tpu.dot_dimension_numbers<[1], [0], [0], [1], [0, 0, 1, 1], [], []>, transpose_lhs_hint = false} : vector<512x1024xbf16>, vector<1024x512xbf16>, vector<512x512xf32> -> vector<512x512xf32>
    %get3A_54 = arith.constant 0 : index
    %get3A_55 = arith.constant 1536 : index
    %get3A_56 = vector.load %arg9[%get3A_54, %get3A_55] : memref<1024x2048xbf16, #tpu.memory_space<vmem>>, vector<1024x512xbf16>
    %dot_general3A_57 = arith.constant dense<0.000000e+00> : vector<512x512xf32>
    %dot_general3A_58 = tpu.matmul %convert_element_type3A_4, %get3A_56, %dot_general3A_57 {dimension_numbers = #tpu.dot_dimension_numbers<[1], [0], [0], [1], [0, 0, 1, 1], [], []>, transpose_lhs_hint = false} : vector<512x1024xbf16>, vector<1024x512xbf16>, vector<512x512xf32> -> vector<512x512xf32>
    %logistic3A_59 = arith.negf %dot_general3A_53 : vector<512x512xf32>
    %logistic3A_60 = math.exp %logistic3A_59 : vector<512x512xf32>
    %logistic3A_61 = arith.constant 1.000000e+00 : f32
    %logistic3A_62 = vector.broadcast %logistic3A_61 : f32 to vector<512x512xf32>
    %logistic3A_63 = arith.addf %logistic3A_62, %logistic3A_60 : vector<512x512xf32>
    %logistic3A_64 = arith.divf %logistic3A_62, %logistic3A_63 : vector<512x512xf32>
    %mul3A_65 = arith.mulf %dot_general3A_53, %logistic3A_64 : vector<512x512xf32>
    %mul3A_66 = arith.mulf %mul3A_65, %dot_general3A_58 : vector<512x512xf32>
    %convert_element_type3A_67 = arith.truncf %mul3A_66 : vector<512x512xf32> to vector<512x512xbf16>
    %get3A_68 = arith.constant 512 : index
    %get3A_69 = arith.constant 0 : index
    %get3A_70 = vector.load %arg10[%get3A_68, %get3A_69] : memref<1024x1024xbf16, #tpu.memory_space<vmem>>, vector<512x1024xbf16>
    %dot_general3A_71 = arith.constant dense<0.000000e+00> : vector<512x1024xf32>
    %dot_general3A_72 = tpu.matmul %convert_element_type3A_67, %get3A_70, %dot_general3A_71 {dimension_numbers = #tpu.dot_dimension_numbers<[1], [0], [0], [1], [0, 0, 1, 1], [], []>, transpose_lhs_hint = false} : vector<512x512xbf16>, vector<512x1024xbf16>, vector<512x1024xf32> -> vector<512x1024xf32>
    %add3A_73 = arith.addf %add3A_48, %dot_general3A_72 : vector<512x1024xf32>
    %swap3A = arith.constant 0 : index
    %swap3A_74 = arith.constant 0 : index
    %swap3A_75 = vector.load %arg8[%swap3A, %swap3A_74] : memref<512x1024xf32, #tpu.memory_space<vmem>>, vector<512x1024xf32>
    tpu.vector_store %arg8[%swap3A, %swap3A_74], %add3A_73 {strides = array<i32>} : memref<512x1024xf32, #tpu.memory_space<vmem>>, vector<512x1024xf32>,
    return
  }
  func.func @transform_0(%arg0: i32) -> (i32, i32) {
    %c0_i32 = arith.constant 0 : i32
    %c0_i32_0 = arith.constant 0 : i32
    return %arg0, %c0_i32 : i32, i32
  }
  func.func @transform_1(%arg0: i32) -> (i32, i32) {
    %c0_i32 = arith.constant 0 : i32
    %c0_i32_0 = arith.constant 0 : i32
    return %arg0, %c0_i32 : i32, i32
  }
  func.func @transform_2(%arg0: i32) -> (i32, i32) {
    %c0_i32 = arith.constant 0 : i32
    %c0_i32_0 = arith.constant 0 : i32
    return %arg0, %c0_i32 : i32, i32
  }
  func.func @transform_3(%arg0: i32) -> (i32, i32) {
    %c0_i32 = arith.constant 0 : i32
    %c0_i32_0 = arith.constant 0 : i32
    return %arg0, %c0_i32 : i32, i32
  }
  func.func @transform_4(%arg0: i32) -> (i32, i32) {
    %c0_i32 = arith.constant 0 : i32
    %c0_i32_0 = arith.constant 0 : i32
    %c0_i32_1 = arith.constant 0 : i32
    return %c0_i32, %c0_i32_0 : i32, i32
  }
  func.func @transform_5(%arg0: i32) -> (i32, i32) {
    %c0_i32 = arith.constant 0 : i32
    %c0_i32_0 = arith.constant 0 : i32
    %c0_i32_1 = arith.constant 0 : i32
    return %c0_i32, %c0_i32_0 : i32, i32
  }
  func.func @transform_6(%arg0: i32) -> (i32, i32) {
    %c0_i32 = arith.constant 0 : i32
    %c0_i32_0 = arith.constant 0 : i32
    %c0_i32_1 = arith.constant 0 : i32
    return %c0_i32, %c0_i32_0 : i32, i32
  }
  func.func @transform_7(%arg0: i32) -> (i32, i32) {
    %c0_i32 = arith.constant 0 : i32
    %c0_i32_0 = arith.constant 0 : i32
    return %arg0, %c0_i32 : i32, i32
  }
}

</mosaic_0001>

<sc_bundles>
// kernel: kernel.10.cloned.1.call-start
scs
__scs_entry_jumppad:
0x0: {  	(pc) =	sbr.rel $0x88, $3  }
0x1: {  	(tag) =	ssettag $0x0;
	lr =	simm.s32 $0x1  }
0x2: {  	[smem:$0x3F98] =	sst lr;
	_ =	strace $0xD0000000  }
0x3: {  	_ = 	snop  }
0x4: {  	_ = 	snop  }
0x5: {  	_ = 	snop  }
0x6: {  	_ = 	snop  }
0x7: {  	_ = 	snop  }
__scs_overlays_trampoline_lowered:
0x8: {  	[smem:$0x3FA7] =	sst s0  }
0x9: {  	[smem:$0x3FA8] =	sst s1  }
0xa: {  	[smem:$0x3FA9] =	sst s2  }
0xb: {  	[smem:$0x3FAA] =	sst s3  }
0xc: {  	[smem:$0x3FAB] =	sst s4  }
0xd: {  	[smem:$0x3FAC] =	sst s5  }
0xe: {  	[smem:$0x3FAD] =	sst s6  }
0xf: {  	[smem:$0x3FAE] =	sst s7  }
0x10: {  	[smem:$0x3FAF] =	sst s8  }
0x11: {  	[smem:$0x3FB0] =	sst s9;
	s0 =	simm.s32 @!p0 $0x0  }
0x12: {  	s1 =	sld [smem:$0x3F96];
	s0 =	simm.s32 @p0 $0x1  }
0x13: {  	[smem:$0x3FB1] =	sst s0;
	s0 =	simm.s32 @!p1 $0x0  }
0x14: {  	s2 =	sld [smem:$0x3F95];
	s0 =	simm.s32 @p1 $0x1  }
0x15: {  	[smem:$0x3FB2] =	sst s0;
	s0 =	simm.s32 @!p2 $0x0  }
0x16: {  	s3 =	sld [smem:$0x3FDB];
	s0 =	simm.s32 @p2 $0x1  }
0x17: {  	s4 =	simm.s32 $0x1BF5;
	[smem:$0x3FB4] =	sst s0  }
0x18: {  	s0 =	sld [smem:$0x3F97];
	_ =	swait.ge [sflag:s4], $0x0  }
0x19: {  	s7 =	sld [smem:$0x3F98]  }
0x1a: {  	s8 =	sadd.s32 $0xFFFFE003, lr  }
0x1b: {  	s9 =	sadd.s32 $0xFFFFFEF7, lr;
	s5 =	simm.s32 $0xFFFFFFFF;
	p2 =	slt.u32 s8, $0xFFFFF086  }
0x1c: {  	p1 =	slt.u32 s9, $0xF7A;
	s5 =	simm.s32 @!p2 $0x0  }
0x1d: {  	s5 =	simm.s32 @p1 $0x1;
	p0 =	seq.s32 s7, s2  }
0x1e: {  	s7 =	smul.u32 @!p0 $0xF7A, s2;
	p2 =	seq.s32 @!p0 s5, $0x0  }
0x1f: {  	s9 =	smul.u32 $0xF7A, s1;
	s8 =	simm.s32 @!p0 $0x1BF5;
	p2 =	por !p2, p0  }
0x20: {  	[sflag:s8] =	ssyncset.s32 @!p0 $0xFFFFF086;
	s6 =	sadd.s32 @!p0 s3, s7;
	s7 =	simm.s32 @!p0 $0x108  }
0x21: {  	s3 =	sadd.s32 s3, s9;
	s6 =	sadd.s32 @!p0 $0x88, s6;
	s7 =	simm.s32 @p2 $0x1082  }
0x22: {  	[simem:s7], [sflag:s8] =	dma.local @!p0 [hbm:s6], $0xF7A  }
0x23: {  	s9 =	sor.u32 $0xD0000000, s2;
	s6 =	simm.s32 $0x108;
	_ =	swait.ge @!p0 [sflag:s8], $0x0  }
0x24: {  	s3 =	sadd.s32 $0x88, s3;
	s6 =	simm.s32 @!p1 $0x1082;
	[sflag:s4] =	ssyncset.s32 $0xFFFFF086  }
0x25: {  	[simem:s6], [sflag:s4] =	dma.local [hbm:s3], $0xF7A  }
0x26: {  	[smem:$0x3F98] =	sst s1;
	(tag) =	ssettag s2;
	_ =	strace s9  }
0x27: {  	s1 =	sld [smem:$0x3FA8]  }
0x28: {  	s2 =	sld [smem:$0x3FA9]  }
0x29: {  	s4 =	sld [smem:$0x3FAB]  }
0x2a: {  	p0 =	seq.s32 s5, $0x0;
	s5 =	sld [smem:$0x3FAC]  }
0x2b: {  	s6 =	sld [smem:$0x3FAD]  }
0x2c: {  	s7 =	sld [smem:$0x3FAE]  }
0x2d: {  	s3 =	simm.s32 $0x108;
	s8 =	sld [smem:$0x3FAF]  }
0x2e: {  	s3 =	simm.s32 @!p0 $0x1082;
	s9 =	sld [smem:$0x3FB0]  }
0x2f: {  	lr =	sadd.s32 s0, s3;
	s0 =	sld [smem:$0x3FA7]  }
0x30: {  	s3 =	sld [smem:$0x3FAA]  }
0x31: {  	[smem:$0x3FB3] =	sst s10  }
0x32: {  	s10 =	sld [smem:$0x3FB1];
	_ =	sdelay $0x3  }
0x33: {  	p0 =	seq.s32 s10, $0x1;
	s10 =	sld [smem:$0x3FB3];
	_ =	sdelay $0x3  }
0x34: {  	[smem:$0x3FB3] =	sst s10  }
0x35: {  	s10 =	sld [smem:$0x3FB2];
	_ =	sdelay $0x3  }
0x36: {  	p1 =	seq.s32 s10, $0x1;
	s10 =	sld [smem:$0x3FB3];
	_ =	sdelay $0x3  }
0x37: {  	[smem:$0x3FB3] =	sst s10  }
0x38: {  	s10 =	sld [smem:$0x3FB4]  }
0x39: {  	_ = 	snop;
	(pc) =	sbr.ind lr, $3  }
0x3a: {  	_ = 	snop  }
0x3b: {  	_ = 	snop  }
0x3c: {  	p2 =	seq.s32 s10, $0x1;
	s10 =	sld [smem:$0x3FB3]  }
0x3d: {  	_ =	shalt  }
0x3e: {  	_ =	shalt  }
0x3f: {  	_ =	shalt  }
0x40: {  	_ =	shalt  }
0x41: {  	_ =	shalt  }
0x42: {  	_ =	shalt  }
0x43: {  	_ =	shalt  }
0x44: {  	_ =	shalt  }
0x45: {  	_ =	shalt  }
0x46: {  	_ =	shalt  }
0x47: {  	_ =	shalt  }
0x48: {  	_ =	shalt  }
0x49: {  	_ =	shalt  }
0x4a: {  	_ =	shalt  }
0x4b: {  	_ =	shalt  }
0x4c: {  	_ =	shalt  }
0x4d: {  	_ =	shalt  }
0x4e: {  	_ =	shalt  }
0x4f: {  	_ =	shalt  }
0x50: {  	_ =	shalt  }
0x51: {  	_ =	shalt  }
0x52: {  	_ =	shalt  }
0x53: {  	_ =	shalt  }
0x54: {  	_ =	shalt  }
0x55: {  	_ =	shalt  }
0x56: {  	_ =	shalt  }
0x57: {  	_ =	shalt  }
0x58: {  	_ =	shalt  }
0x59: {  	_ =	shalt  }
0x5a: {  	_ =	shalt  }
0x5b: {  	_ =	shalt  }
0x5c: {  	_ =	shalt  }
0x5d: {  	_ =	shalt  }
0x5e: {  	_ =	shalt  }
0x5f: {  	_ =	shalt  }
0x60: {  	_ =	shalt  }
0x61: {  	_ =	shalt  }
0x62: {  	_ =	shalt  }
0x63: {  	_ =	shalt  }
0x64: {  	_ =	shalt  }
0x65: {  	_ =	shalt  }
0x66: {  	_ =	shalt  }
0x67: {  	_ =	shalt  }
0x68: {  	_ =	shalt  }
0x69: {  	_ =	shalt  }
0x6a: {  	_ =	shalt  }
0x6b: {  	_ =	shalt  }
0x6c: {  	_ =	shalt  }
0x6d: {  	_ =	shalt  }
0x6e: {  	_ =	shalt  }
0x6f: {  	_ =	shalt  }
0x70: {  	_ =	shalt  }
0x71: {  	_ =	shalt  }
0x72: {  	_ =	shalt  }
0x73: {  	_ =	shalt  }
0x74: {  	_ =	shalt  }
0x75: {  	_ =	shalt  }
0x76: {  	_ =	shalt  }
0x77: {  	_ =	shalt  }
0x78: {  	_ =	shalt  }
0x79: {  	_ =	shalt  }
0x7a: {  	_ =	shalt  }
0x7b: {  	_ =	shalt  }
0x7c: {  	_ =	shalt  }
0x7d: {  	_ =	shalt  }
0x7e: {  	_ =	shalt  }
0x7f: {  	_ =	shalt  }
0x80: {  	_ =	shalt  }
0x81: {  	_ =	shalt  }
0x82: {  	_ =	shalt  }
0x83: {  	_ =	shalt  }
0x84: {  	_ =	shalt  }
0x85: {  	_ =	shalt  }
0x86: {  	_ =	shalt  }
0x87: {  	_ =	shalt  }
.Lfunc_end0:
.L_simem_size_0:
called_computation.1_lowered:
.L_overlay_start_0:
0x88: {  	s2 =	sld [smem:$0x3FD9]  }
0x89: {  	s3 =	sld [smem:$0x3FFE];
	_ =	sdelay $0x1  }
0x8a: {  	s1 =	srdreg.scid  }
0x8b: {  	s0 =	sand.u32 $0x1, s1  }
0x8c: {  	s14 =	sshll.u32 s0, $0xA;
	s2 =	sadd.s32 s3, s2  }
0x8d: {  	s2 =	sadd.s32 s2, s14  }
0x8e: {  	[smem:$0x3FBF] =	sst s2  }
0x8f: {  	_ = 	snop  }
0x90: {  	s2 =	sld [smem:$0x3FD0];
	_ =	sdelay $0x2  }
0x91: {  	s15 =	simm.s32 $0xA;
	s4 =	simm.s32 $0x10  }
0x92: {  	[smem:s4], [sflag:s15] =	dma.local [hbm:s2], $0x1  }
0x93: {  	_ =	swait.eq [sflag:s15], $0x1  }
0x94: {  	[sflag:s15] =	ssyncset.done $0x0  }
0x95: {  	[sflag:s15] =	ssyncadd.s32 $0xFFFFFFFF  }
0x96: {  	s16 =	sld [smem:$0x10];
	(tm) =	ssettm $0x1  }
0x97: {  	s17 =	sld [smem:$0x3FFB];
	_ =	sdelay $0x3  }
0x98: {  	_ =	strace s17  }
0x99: {  	s3 =	sld [smem:$0x3FFC];
	_ =	sdelay $0x3  }
0x9a: {  	_ =	strace s3  }
0x9b: {  	s3 =	sld [smem:$0x3FFD];
	_ =	sdelay $0x3  }
0x9c: {  	_ =	strace s3  }
0x9d: {  	_ =	strace $0x8FFFFFFF  }
0x9e: {  	s18 =	sld [smem:$0x3FDB];
	_ =	sdelay $0x1  }
0x9f: {  	s19 =	simm.s32 $_scs_section_size  }
0xa0: {  	s5 =	simm.s32 $_size__tile_overlayer_lowered;
	s6 =	simm.s32 $_tile_overlayer_lowered  }
0xa1: {  	s22 =	simm.s32 $0x1BFF;
	s21 =	sshll.u32 s6, $0x1;
	s3 =	sadd.s32 s19, s18  }
0xa2: {  	s7 =	simm.s32 $0x0;
	s20 =	sshll.u32 s5, $0x1;
	s5 =	sadd.s32 s21, s3  }
0xa3: {  	[timem:s7], [sflag:s22] =	dma.local [hbm:s5], s20  }
0xa4: {  	_ =	swait.ge [sflag:s22], s20  }
0xa5: {  	s4 =	ssub.s32 $0x0, s20;
	[sflag:s22] =	ssyncset.done $0x0  }
0xa6: {  	[sflag:s22] =	ssyncadd.s32 s4;
	_ =	sdelay $0x1  }
0xa7: {  	s23 =	simm.s32 $0x1B8B  }
0xa8: {  	_ =	swait.ge [sflag:s23], $0x1  }
0xa9: {  	[sflag:s23] =	ssyncset.done $0x0  }
0xaa: {  	s25 =	simm.s32 $0x1B8E;
	s24 =	sld [smem:$0x3FFE];
	[sflag:s23] =	ssyncadd.s32 $0xFFFFFFFF  }
0xab: {  	s26 =	simm.s32 $execute0_lowered;
	[smem:$0x3FD2] =	sst s25  }
0xac: {  	s5 =	sshll.u32 s26, $0x1;
	_ =	strace $0x80000049;
	[dreg:$0x1] =	wrdreg $0xFFFFFFFF  }
0xad: {  	s28 =	simm.s32 $_size_execute0_lowered;
	s3 =	sadd.s32 s3, s5;
	[dreg:$0x0] =	wrdreg $0x0  }
0xae: {  	s5 =	sshll.u32 s28, $0x1;
	[dreg:$0x2] =	wrdreg s3  }
0xaf: {  	[dreg:$0x3] =	wrdreg s5  }
0xb0: {  	[dreg:$0x4] =	wrdreg $0xC0  }
0xb1: {  	_ =	task [dreg:s7], $0x5FFFF  }
0xb2: {  	[dreg:$0x1] =	wrdreg $0xFFFFFFFF  }
0xb3: {  	[dreg:$0x0] =	wrdreg $0x60  }
0xb4: {  	[dreg:$0x2] =	wrdreg s16  }
0xb5: {  	[dreg:$0x3] =	wrdreg s24  }
0xb6: {  	[dreg:$0x4] =	wrdreg $0x9  }
0xb7: {  	_ =	task.clear_ibuf [dreg:s7], $0x5FFFF;
	_ =	strace $0x90000049  }
0xb8: {  	s29 =	simm.s32 $0x9;
	_ =	strace $0x8000004B  }
0xb9: {  	_ =	swait.ge [sflag:s29], $0x1  }
0xba: {  	[sflag:s29] =	ssyncadd.s32 $0xFFFFFFFF  }
0xbb: {  	_ =	strace $0x9000004B  }
0xbc: {  	_ =	sfence  }
0xbd: {  	s30 =	sld [smem:$0x0];
	_ =	sdelay $0x2  }
0xbe: {  	s31 =	sshll.u32 s1, $0xD;
	s1 =	sshrl.u32 s1, $0x2  }
0xbf: {  	s3 =	sand.u32 $0x4000, s31;
	s1 =	sadd.s32 s1, s30  }
0xc0: {  	s0 =	sor.u32 s3, s0;
	s1 =	sshll.u32 s1, $0x11  }
0xc1: {  	s0 =	sor.u32 s1, s0  }
0xc2: {  	s0 =	sadd.s32 $0x8F2B, s0  }
0xc3: {  	[sflag:s0] =	ssyncadd.remote.s32 $0x1  }
0xc4: {  	_ =	sfence.sel $0xFFFF  }
0xc5: {  	[dreg:$0x0] =	wrdreg $0xFFFFFFFF;
	(pc) =	sbr.abs _section_cstart, $3  }
0xc6: {  	[dreg:$0x1] =	wrdreg $0xFFFFFFFF  }
0xc7: {  	_ =	task.clear_ibuf [dreg:s7], $0x2FFFF;
	_ =	strace $0x9FFFFFFF  }
0xc8: {  	(tm) =	ssettm $0x7FFFFFFF  }
0xc9: {  	_ =	shalt  }
tec
execute0_lowered:
.L_overlay_start_1:
0x0: {  	(tag) =	ssettag $0x1  }
0x1: {  	s2 =	rddreg [dreg:$0x0]  }
0x2: {  	s4 =	rddreg [dreg:$0x1];
	s3 =	srdreg.scid  }
0x3: {  	s0 =	rddreg [dreg:$0x2];
	s1 =	stileid.u32  }
0x4: {  	s10 =	simm.s32 $0x80;
	s11 =	simm.s32 $0x100;
	s12 =	simm.s32 $0x900  }
0x5: {  	s13 =	simm.s32 $0x1100;
	s14 =	simm.s32 $0x1900;
	s15 =	simm.s32 $0x2100  }
0x6: {  	s16 =	simm.s32 $0x2900;
	s17 =	simm.s32 $0x3100;
	s18 =	simm.s32 $0x3900  }
0x7: {  	s19 =	simm.s32 $0x4100;
	s20 =	simm.s32 $0x4900;
	s21 =	simm.s32 $0x5100  }
0x8: {  	s22 =	simm.s32 $0x5900;
	s23 =	simm.s32 $0x6100;
	s24 =	simm.s32 $0x6900  }
0x9: {  	s25 =	simm.s32 $0x7100;
	s26 =	simm.s32 $0x7900;
	s28 =	simm.s32 $0x1  }
0xa: {  	s29 =	simm.s32 $0x2;
	s5 =	sand.u32 $0x1, s3;
	s3 =	simm.s32 $0x0  }
0xb: {  	s6 =	sshll.u32 s1, $0x7;
	s7 =	sshll.u32 s5, $0x6;
	[smem:$0x7FF] =	sst s3  }
0xc: {  	s5 =	ssub.s32 $0x2, s5;
	s6 =	sor.u32 s7, s6;
	_ =	strace $0x8000004A  }
0xd: {  	s8 =	sshrl.u32 s5, $0x1;
	s7 =	sshrl.u32 s6, $0x3;
	s6 =	sshll.u32 s6, $0x5  }
0xe: {  	v2 =	vlaneseq.u32;
	s8 =	ssub.s32 s5, s8;
	s7 =	sadd.s32 s7, s4;
	s9 =	sadd.s32 s6, s4  }
0xf: {  	vm0 =	vmmov $0xffff;
	v1 =	vshrl.u32 v2, $0x3;
	s8 =	smax.u32 s8, $0x1;
	s4 =	sadd.s32 $0x12400, s7;
	s5 =	sadd.s32 $0x12200, s7  }
0x10: {  	v0 =	vand.u32 $0x7, v2;
	v2 =	vor.u32 $0x8, v2;
	v1 =	vmul.u32 $0x8, v1;
	s6 =	sadd.s32 $0x2200, s9;
	s7 =	sadd.s32 $0x12600, s9;
	s9 =	simm.s32 $0x3  }
.LBB2_1:
0x11: {  	[tilespmem:s3], [sflag:$0x3] =	stream.linear.gather [hbm4b:s4+s3], $0x40, $0x38;
	[tilespmem:$0x8100] =	vst v63  }
0x12: {  	_ =	swait.ge [sflag:s9], $0x40  }
0x13: {  	[sflag:s9] =	ssyncset.done $0x0  }
0x14: {  	[sflag:s9] =	ssyncadd.s32 $0xFFFFFFC0  }
0x15: {  	[tilespmem:s10], [sflag:$0x3] =	stream.linear.gather [hbm4b:s5+s3], $0x40, $0x38;
	[tilespmem:$0x8100] =	vst v63  }
0x16: {  	_ =	swait.ge [sflag:s9], $0x40  }
0x17: {  	[sflag:s9] =	ssyncset.done $0x0  }
0x18: {  	[sflag:s9] =	ssyncadd.s32 $0xFFFFFFC0  }
0x19: {  	v3 =	vld [tilespmem:$0x0];
	_ =	sdelay $0x4  }
0x1a: {  	v4 =	vshll.u32 v3, $0x1  }
0x1b: {  	v3 =	vand.u32 $0x7, v3;
	v4 =	vand.u32 $0xFFFFFFF0, v4  }
0x1c: {  	v3 =	vor.u32 v3, v4  }
0x1d: {  	v4 =	vperm.xlane v3, v0;
	_ =	sdelay $0x1  }
0x1e: {  	v3 =	vperm.xlane v3, v2;
	v4 =	vadd.s32 v1, v4;
	_ =	sdelay $0x1  }
0x1f: {  	v3 =	vadd.s32 v1, v3;
	_ =	sdelay $0x2  }
0x20: {  	[tilespmem:s11], [sflag:$0x1] =	stream.indirect_vreg.gather [hbm4b:s2+s3], $0x80, v4, vm0, $0xb8;
	[tilespmem:$0x8100] =	vst v63  }
0x21: {  	_ = 	snop  }
0x22: {  	[tilespmem:s12], [sflag:$0x1] =	stream.indirect_vreg.gather [hbm4b:s2+s3], $0x80, v3, vm0, $0xb8;
	[tilespmem:$0x8100] =	vst v63  }
0x23: {  	v3 =	vld [tilespmem:$0x10];
	_ =	sdelay $0x4  }
0x24: {  	v57 =	vshll.u32 v3, $0x1  }
0x25: {  	v3 =	vand.u32 $0x7, v3;
	v4 =	vand.u32 $0xFFFFFFF0, v57  }
0x26: {  	v3 =	vor.u32 v3, v4  }
0x27: {  	v4 =	vperm.xlane v3, v0;
	_ =	sdelay $0x1  }
0x28: {  	v3 =	vperm.xlane v3, v2;
	v4 =	vadd.s32 v1, v4;
	_ =	sdelay $0x1  }
0x29: {  	v3 =	vadd.s32 v1, v3;
	_ =	sdelay $0x2  }
0x2a: {  	[tilespmem:s13], [sflag:$0x1] =	stream.indirect_vreg.gather [hbm4b:s2+s3], $0x80, v4, vm0, $0xb8;
	[tilespmem:$0x8100] =	vst v63  }
0x2b: {  	_ = 	snop  }
0x2c: {  	[tilespmem:s14], [sflag:$0x1] =	stream.indirect_vreg.gather [hbm4b:s2+s3], $0x80, v3, vm0, $0xb8;
	[tilespmem:$0x8100] =	vst v63  }
0x2d: {  	v3 =	vld [tilespmem:$0x20];
	_ =	sdelay $0x4  }
0x2e: {  	v58 =	vshll.u32 v3, $0x1  }
0x2f: {  	v3 =	vand.u32 $0x7, v3;
	v4 =	vand.u32 $0xFFFFFFF0, v58  }
0x30: {  	v3 =	vor.u32 v3, v4  }
0x31: {  	v4 =	vperm.xlane v3, v0;
	_ =	sdelay $0x1  }
0x32: {  	v3 =	vperm.xlane v3, v2;
	v4 =	vadd.s32 v1, v4;
	_ =	sdelay $0x1  }
0x33: {  	v3 =	vadd.s32 v1, v3;
	_ =	sdelay $0x2  }
0x34: {  	[tilespmem:s15], [sflag:$0x1] =	stream.indirect_vreg.gather [hbm4b:s2+s3], $0x80, v4, vm0, $0xb8;
	[tilespmem:$0x8100] =	vst v63  }
0x35: {  	_ = 	snop  }
0x36: {  	[tilespmem:s16], [sflag:$0x1] =	stream.indirect_vreg.gather [hbm4b:s2+s3], $0x80, v3, vm0, $0xb8;
	[tilespmem:$0x8100] =	vst v63  }
0x37: {  	v3 =	vld [tilespmem:$0x30];
	_ =	sdelay $0x4  }
0x38: {  	v59 =	vshll.u32 v3, $0x1  }
0x39: {  	v3 =	vand.u32 $0x7, v3;
	v4 =	vand.u32 $0xFFFFFFF0, v59  }
0x3a: {  	v3 =	vor.u32 v3, v4  }
0x3b: {  	v4 =	vperm.xlane v3, v0;
	_ =	sdelay $0x1  }
0x3c: {  	v3 =	vperm.xlane v3, v2;
	v4 =	vadd.s32 v1, v4;
	_ =	sdelay $0x1  }
0x3d: {  	v3 =	vadd.s32 v1, v3;
	_ =	sdelay $0x2  }
0x3e: {  	[tilespmem:s17], [sflag:$0x1] =	stream.indirect_vreg.gather [hbm4b:s2+s3], $0x80, v4, vm0, $0xb8;
	[tilespmem:$0x8100] =	vst v63  }
0x3f: {  	_ = 	snop  }
0x40: {  	[tilespmem:s18], [sflag:$0x1] =	stream.indirect_vreg.gather [hbm4b:s2+s3], $0x80, v3, vm0, $0xb8;
	[tilespmem:$0x8100] =	vst v63  }
0x41: {  	v3 =	vld [tilespmem:$0x80];
	_ =	sdelay $0x4  }
0x42: {  	v60 =	vshll.u32 v3, $0x1  }
0x43: {  	v3 =	vand.u32 $0x7, v3;
	v4 =	vand.u32 $0xFFFFFFF0, v60  }
0x44: {  	v3 =	vor.u32 v3, v4  }
0x45: {  	v4 =	vperm.xlane v3, v0;
	_ =	sdelay $0x1  }
0x46: {  	v3 =	vperm.xlane v3, v2;
	v4 =	vadd.s32 v1, v4;
	_ =	sdelay $0x1  }
0x47: {  	v3 =	vadd.s32 v1, v3;
	_ =	sdelay $0x2  }
0x48: {  	[tilespmem:s19], [sflag:$0x2] =	stream.indirect_vreg.gather [hbm4b:s2+s3], $0x80, v4, vm0, $0xb8;
	[tilespmem:$0x8100] =	vst v63  }
0x49: {  	_ = 	snop  }
0x4a: {  	[tilespmem:s20], [sflag:$0x2] =	stream.indirect_vreg.gather [hbm4b:s2+s3], $0x80, v3, vm0, $0xb8;
	[tilespmem:$0x8100] =	vst v63  }
0x4b: {  	v3 =	vld [tilespmem:$0x90];
	_ =	sdelay $0x4  }
0x4c: {  	v61 =	vshll.u32 v3, $0x1  }
0x4d: {  	v3 =	vand.u32 $0x7, v3;
	v4 =	vand.u32 $0xFFFFFFF0, v61  }
0x4e: {  	v3 =	vor.u32 v3, v4  }
0x4f: {  	v4 =	vperm.xlane v3, v0;
	_ =	sdelay $0x1  }
0x50: {  	v3 =	vperm.xlane v3, v2;
	v4 =	vadd.s32 v1, v4;
	_ =	sdelay $0x1  }
0x51: {  	v3 =	vadd.s32 v1, v3;
	_ =	sdelay $0x2  }
0x52: {  	[tilespmem:s21], [sflag:$0x2] =	stream.indirect_vreg.gather [hbm4b:s2+s3], $0x80, v4, vm0, $0xb8;
	[tilespmem:$0x8100] =	vst v63  }
0x53: {  	_ = 	snop  }
0x54: {  	[tilespmem:s22], [sflag:$0x2] =	stream.indirect_vreg.gather [hbm4b:s2+s3], $0x80, v3, vm0, $0xb8;
	[tilespmem:$0x8100] =	vst v63  }
0x55: {  	v3 =	vld [tilespmem:$0xA0];
	_ =	sdelay $0x4  }
0x56: {  	v62 =	vshll.u32 v3, $0x1  }
0x57: {  	v3 =	vand.u32 $0x7, v3;
	v4 =	vand.u32 $0xFFFFFFF0, v62  }
0x58: {  	v3 =	vor.u32 v3, v4  }
0x59: {  	v4 =	vperm.xlane v3, v0;
	_ =	sdelay $0x1  }
0x5a: {  	v3 =	vperm.xlane v3, v2;
	v4 =	vadd.s32 v1, v4;
	_ =	sdelay $0x1  }
0x5b: {  	v3 =	vadd.s32 v1, v3;
	_ =	sdelay $0x2  }
0x5c: {  	[tilespmem:s23], [sflag:$0x2] =	stream.indirect_vreg.gather [hbm4b:s2+s3], $0x80, v4, vm0, $0xb8;
	[tilespmem:$0x8100] =	vst v63  }
0x5d: {  	_ = 	snop  }
0x5e: {  	[tilespmem:s24], [sflag:$0x2] =	stream.indirect_vreg.gather [hbm4b:s2+s3], $0x80, v3, vm0, $0xb8;
	[tilespmem:$0x8100] =	vst v63  }
0x5f: {  	v3 =	vld [tilespmem:$0xB0];
	_ =	sdelay $0x4  }
0x60: {  	v63 =	vshll.u32 v3, $0x1  }
0x61: {  	v3 =	vand.u32 $0x7, v3;
	v4 =	vand.u32 $0xFFFFFFF0, v63  }
0x62: {  	v3 =	vor.u32 v3, v4  }
0x63: {  	v4 =	vperm.xlane v3, v0;
	_ =	sdelay $0x1  }
0x64: {  	v3 =	vperm.xlane v3, v2;
	v4 =	vadd.s32 v1, v4;
	_ =	sdelay $0x1  }
0x65: {  	v3 =	vadd.s32 v1, v3;
	_ =	sdelay $0x2  }
0x66: {  	[tilespmem:s25], [sflag:$0x2] =	stream.indirect_vreg.gather [hbm4b:s2+s3], $0x80, v4, vm0, $0xb8;
	[tilespmem:$0x8100] =	vst v63  }
0x67: {  	_ = 	snop  }
0x68: {  	[tilespmem:s26], [sflag:$0x2] =	stream.indirect_vreg.gather [hbm4b:s2+s3], $0x80, v3, vm0, $0xb8;
	[tilespmem:$0x8100] =	vst v63  }
0x69: {  	_ =	swait.ge [sflag:s28], $0x4000  }
0x6a: {  	[sflag:s28] =	ssyncset.done $0x0  }
0x6b: {  	[sflag:s28] =	ssyncadd.s32 $0xFFFFC000  }
0x6c: {  	_ =	swait.ge [sflag:s29], $0x4000  }
0x6d: {  	[sflag:s29] =	ssyncset.done $0x0  }
0x6e: {  	[sflag:s29] =	ssyncadd.s32 $0xFFFFC000  }
0x6f: {  	[hbm4b:s6+s3] =	stream.linear.scatter [tilespmem:s11], [sflag:$0x3], $0x4000, $0x38;
	[tilespmem:$0x8100] =	vst v63  }
0x70: {  	_ =	swait.ge [sflag:s9], $0x4000  }
0x71: {  	p0 =	sne.s32 s8, $0x1;
	[sflag:s9] =	ssyncset.done $0x0  }
.Ltmp0:
0x72: {  	[sflag:s9] =	ssyncadd.s32 $0xFFFFC000;
	(pc) =	sbr.rel @p0 .LBB2_1-.Ltmp0, $4  }
0x73: {  	[hbm4b:s7+s3] =	stream.linear.scatter [tilespmem:s19], [sflag:$0x3], $0x4000, $0x38;
	[tilespmem:$0x8100] =	vst v63  }
0x74: {  	_ =	swait.ge [sflag:s9], $0x4000  }
0x75: {  	[sflag:s9] =	ssyncset.done $0x0  }
0x76: {  	s8 =	sadd.s32 $0xFFFFFFFF, s8;
	[sflag:s9] =	ssyncadd.s32 $0xFFFFC000  }
0x77: {  	_ =	sfence.sel $0x180000  }
0x78: {  	[bflag:$0x0] =	sbarrier.arrive $0xFFFF  }
0x79: {  	p0 =	sne.s32 s1, $0x0;
	_ =	strace $0x9000004A  }
0x7a: {  	s0 =	sadd.s32 @!p0 $0x100000, s0;
	[bflag:$0x2] =	sbarrier.arrive $0xFFFF  }
0x7b: {  	[sflag:s0] =	ssyncadd.tile.s32 @!p0 $0x1;
	_ =	shalt  }
.Lfunc_end2:
_tile_overlayer_lowered:
.L_overlay_start_2:
0x7c: {  	(tag) =	ssettag $0x2  }
0x7d: {  	s0 =	rddreg [dreg:$0x0];
	s2 =	stileid.u32  }
0x7e: {  	s1 =	rddreg [dreg:$0x1];
	p0 =	sne.s32 s2, $0x0  }
0x7f: {  	s3 =	rddreg [dreg:$0x2];
	[bflag:$0x3] =	sbarrier.arrive $0xFFFF;
	s2 =	simm.s32 @!p0 $0x1C03  }
0x80: {  	[timem:s3], [sflag:s2] =	dma.local @!p0 [hbm:s0], s1  }
0x81: {  	s0 =	simm.s32 @!p0 $0x3  }
0x82: {  	_ =	swait.ge @!p0 [sflag:s0], s1  }
0x83: {  	s1 =	ssub.s32 @!p0 $0x0, s1;
	[sflag:s0] =	ssyncset.done @!p0 $0x0  }
0x84: {  	[sflag:s0] =	ssyncadd.s32 @!p0 s1  }
0x85: {  	[bflag:$0x3] =	sbarrier.arrive $0xFFFF  }
0x86: {  	_ =	shalt  }

// kernel: kernel.7.cloned.1.call-start
scs
__scs_entry_jumppad:
0x0: {  	(pc) =	sbr.rel $0x88, $3  }
0x1: {  	(tag) =	ssettag $0x0;
	lr =	simm.s32 $0x1  }
0x2: {  	[smem:$0x3F98] =	sst lr;
	_ =	strace $0xD0000000  }
0x3: {  	_ = 	snop  }
0x4: {  	_ = 	snop  }
0x5: {  	_ = 	snop  }
0x6: {  	_ = 	snop  }
0x7: {  	_ = 	snop  }
__scs_overlays_trampoline_lowered:
0x8: {  	[smem:$0x3FA7] =	sst s0  }
0x9: {  	[smem:$0x3FA8] =	sst s1  }
0xa: {  	[smem:$0x3FA9] =	sst s2  }
0xb: {  	[smem:$0x3FAA] =	sst s3  }
0xc: {  	[smem:$0x3FAB] =	sst s4  }
0xd: {  	[smem:$0x3FAC] =	sst s5  }
0xe: {  	[smem:$0x3FAD] =	sst s6  }
0xf: {  	[smem:$0x3FAE] =	sst s7  }
0x10: {  	[smem:$0x3FAF] =	sst s8  }
0x11: {  	[smem:$0x3FB0] =	sst s9;
	s0 =	simm.s32 @!p0 $0x0  }
0x12: {  	s1 =	sld [smem:$0x3F96];
	s0 =	simm.s32 @p0 $0x1  }
0x13: {  	[smem:$0x3FB1] =	sst s0;
	s0 =	simm.s32 @!p1 $0x0  }
0x14: {  	s2 =	sld [smem:$0x3F95];
	s0 =	simm.s32 @p1 $0x1  }
0x15: {  	[smem:$0x3FB2] =	sst s0;
	s0 =	simm.s32 @!p2 $0x0  }
0x16: {  	s3 =	sld [smem:$0x3FDB];
	s0 =	simm.s32 @p2 $0x1  }
0x17: {  	s4 =	simm.s32 $0x1BF5;
	[smem:$0x3FB4] =	sst s0  }
0x18: {  	s0 =	sld [smem:$0x3F97];
	_ =	swait.ge [sflag:s4], $0x0  }
0x19: {  	s7 =	sld [smem:$0x3F98]  }
0x1a: {  	s8 =	sadd.s32 $0xFFFFE003, lr  }
0x1b: {  	s9 =	sadd.s32 $0xFFFFFEF7, lr;
	s5 =	simm.s32 $0xFFFFFFFF;
	p2 =	slt.u32 s8, $0xFFFFF086  }
0x1c: {  	p1 =	slt.u32 s9, $0xF7A;
	s5 =	simm.s32 @!p2 $0x0  }
0x1d: {  	s5 =	simm.s32 @p1 $0x1;
	p0 =	seq.s32 s7, s2  }
0x1e: {  	s7 =	smul.u32 @!p0 $0xF7A, s2;
	p2 =	seq.s32 @!p0 s5, $0x0  }
0x1f: {  	s9 =	smul.u32 $0xF7A, s1;
	s8 =	simm.s32 @!p0 $0x1BF5;
	p2 =	por !p2, p0  }
0x20: {  	[sflag:s8] =	ssyncset.s32 @!p0 $0xFFFFF086;
	s6 =	sadd.s32 @!p0 s3, s7;
	s7 =	simm.s32 @!p0 $0x108  }
0x21: {  	s3 =	sadd.s32 s3, s9;
	s6 =	sadd.s32 @!p0 $0x88, s6;
	s7 =	simm.s32 @p2 $0x1082  }
0x22: {  	[simem:s7], [sflag:s8] =	dma.local @!p0 [hbm:s6], $0xF7A  }
0x23: {  	s9 =	sor.u32 $0xD0000000, s2;
	s6 =	simm.s32 $0x108;
	_ =	swait.ge @!p0 [sflag:s8], $0x0  }
0x24: {  	s3 =	sadd.s32 $0x88, s3;
	s6 =	simm.s32 @!p1 $0x1082;
	[sflag:s4] =	ssyncset.s32 $0xFFFFF086  }
0x25: {  	[simem:s6], [sflag:s4] =	dma.local [hbm:s3], $0xF7A  }
0x26: {  	[smem:$0x3F98] =	sst s1;
	(tag) =	ssettag s2;
	_ =	strace s9  }
0x27: {  	s1 =	sld [smem:$0x3FA8]  }
0x28: {  	s2 =	sld [smem:$0x3FA9]  }
0x29: {  	s4 =	sld [smem:$0x3FAB]  }
0x2a: {  	p0 =	seq.s32 s5, $0x0;
	s5 =	sld [smem:$0x3FAC]  }
0x2b: {  	s6 =	sld [smem:$0x3FAD]  }
0x2c: {  	s7 =	sld [smem:$0x3FAE]  }
0x2d: {  	s3 =	simm.s32 $0x108;
	s8 =	sld [smem:$0x3FAF]  }
0x2e: {  	s3 =	simm.s32 @!p0 $0x1082;
	s9 =	sld [smem:$0x3FB0]  }
0x2f: {  	lr =	sadd.s32 s0, s3;
	s0 =	sld [smem:$0x3FA7]  }
0x30: {  	s3 =	sld [smem:$0x3FAA]  }
0x31: {  	[smem:$0x3FB3] =	sst s10  }
0x32: {  	s10 =	sld [smem:$0x3FB1];
	_ =	sdelay $0x3  }
0x33: {  	p0 =	seq.s32 s10, $0x1;
	s10 =	sld [smem:$0x3FB3];
	_ =	sdelay $0x3  }
0x34: {  	[smem:$0x3FB3] =	sst s10  }
0x35: {  	s10 =	sld [smem:$0x3FB2];
	_ =	sdelay $0x3  }
0x36: {  	p1 =	seq.s32 s10, $0x1;
	s10 =	sld [smem:$0x3FB3];
	_ =	sdelay $0x3  }
0x37: {  	[smem:$0x3FB3] =	sst s10  }
0x38: {  	s10 =	sld [smem:$0x3FB4]  }
0x39: {  	_ = 	snop;
	(pc) =	sbr.ind lr, $3  }
0x3a: {  	_ = 	snop  }
0x3b: {  	_ = 	snop  }
0x3c: {  	p2 =	seq.s32 s10, $0x1;
	s10 =	sld [smem:$0x3FB3]  }
0x3d: {  	_ =	shalt  }
0x3e: {  	_ =	shalt  }
0x3f: {  	_ =	shalt  }
0x40: {  	_ =	shalt  }
0x41: {  	_ =	shalt  }
0x42: {  	_ =	shalt  }
0x43: {  	_ =	shalt  }
0x44: {  	_ =	shalt  }
0x45: {  	_ =	shalt  }
0x46: {  	_ =	shalt  }
0x47: {  	_ =	shalt  }
0x48: {  	_ =	shalt  }
0x49: {  	_ =	shalt  }
0x4a: {  	_ =	shalt  }
0x4b: {  	_ =	shalt  }
0x4c: {  	_ =	shalt  }
0x4d: {  	_ =	shalt  }
0x4e: {  	_ =	shalt  }
0x4f: {  	_ =	shalt  }
0x50: {  	_ =	shalt  }
0x51: {  	_ =	shalt  }
0x52: {  	_ =	shalt  }
0x53: {  	_ =	shalt  }
0x54: {  	_ =	shalt  }
0x55: {  	_ =	shalt  }
0x56: {  	_ =	shalt  }
0x57: {  	_ =	shalt  }
0x58: {  	_ =	shalt  }
0x59: {  	_ =	shalt  }
0x5a: {  	_ =	shalt  }
0x5b: {  	_ =	shalt  }
0x5c: {  	_ =	shalt  }
0x5d: {  	_ =	shalt  }
0x5e: {  	_ =	shalt  }
0x5f: {  	_ =	shalt  }
0x60: {  	_ =	shalt  }
0x61: {  	_ =	shalt  }
0x62: {  	_ =	shalt  }
0x63: {  	_ =	shalt  }
0x64: {  	_ =	shalt  }
0x65: {  	_ =	shalt  }
0x66: {  	_ =	shalt  }
0x67: {  	_ =	shalt  }
0x68: {  	_ =	shalt  }
0x69: {  	_ =	shalt  }
0x6a: {  	_ =	shalt  }
0x6b: {  	_ =	shalt  }
0x6c: {  	_ =	shalt  }
0x6d: {  	_ =	shalt  }
0x6e: {  	_ =	shalt  }
0x6f: {  	_ =	shalt  }
0x70: {  	_ =	shalt  }
0x71: {  	_ =	shalt  }
0x72: {  	_ =	shalt  }
0x73: {  	_ =	shalt  }
0x74: {  	_ =	shalt  }
0x75: {  	_ =	shalt  }
0x76: {  	_ =	shalt  }
0x77: {  	_ =	shalt  }
0x78: {  	_ =	shalt  }
0x79: {  	_ =	shalt  }
0x7a: {  	_ =	shalt  }
0x7b: {  	_ =	shalt  }
0x7c: {  	_ =	shalt  }
0x7d: {  	_ =	shalt  }
0x7e: {  	_ =	shalt  }
0x7f: {  	_ =	shalt  }
0x80: {  	_ =	shalt  }
0x81: {  	_ =	shalt  }
0x82: {  	_ =	shalt  }
0x83: {  	_ =	shalt  }
0x84: {  	_ =	shalt  }
0x85: {  	_ =	shalt  }
0x86: {  	_ =	shalt  }
0x87: {  	_ =	shalt  }
.Lfunc_end0:
.L_simem_size_0:
called_computation_lowered:
.L_overlay_start_0:
0x88: {  	s2 =	sld [smem:$0x3FD9]  }
0x89: {  	s3 =	sld [smem:$0x3FFE];
	_ =	sdelay $0x1  }
0x8a: {  	s1 =	srdreg.scid  }
0x8b: {  	s0 =	sand.u32 $0x1, s1  }
0x8c: {  	s14 =	sshll.u32 s0, $0xA;
	s2 =	sadd.s32 s3, s2  }
0x8d: {  	s2 =	sadd.s32 s2, s14  }
0x8e: {  	[smem:$0x3FBF] =	sst s2  }
0x8f: {  	_ = 	snop  }
0x90: {  	s2 =	sld [smem:$0x3FD0];
	_ =	sdelay $0x2  }
0x91: {  	s15 =	simm.s32 $0xA;
	s4 =	simm.s32 $0x10  }
0x92: {  	[smem:s4], [sflag:s15] =	dma.local [hbm:s2], $0x1  }
0x93: {  	_ =	swait.eq [sflag:s15], $0x1  }
0x94: {  	[sflag:s15] =	ssyncset.done $0x0  }
0x95: {  	[sflag:s15] =	ssyncadd.s32 $0xFFFFFFFF  }
0x96: {  	s16 =	sld [smem:$0x10];
	(tm) =	ssettm $0x1  }
0x97: {  	s17 =	sld [smem:$0x3FFB];
	_ =	sdelay $0x3  }
0x98: {  	_ =	strace s17  }
0x99: {  	s3 =	sld [smem:$0x3FFC];
	_ =	sdelay $0x3  }
0x9a: {  	_ =	strace s3  }
0x9b: {  	s3 =	sld [smem:$0x3FFD];
	_ =	sdelay $0x3  }
0x9c: {  	_ =	strace s3  }
0x9d: {  	_ =	strace $0x8FFFFFFF  }
0x9e: {  	s18 =	sld [smem:$0x3FDB];
	_ =	sdelay $0x1  }
0x9f: {  	s19 =	simm.s32 $_scs_section_size  }
0xa0: {  	s5 =	simm.s32 $_size__tile_overlayer_lowered;
	s6 =	simm.s32 $_tile_overlayer_lowered  }
0xa1: {  	s22 =	simm.s32 $0x1BFF;
	s21 =	sshll.u32 s6, $0x1;
	s3 =	sadd.s32 s19, s18  }
0xa2: {  	s7 =	simm.s32 $0x0;
	s20 =	sshll.u32 s5, $0x1;
	s5 =	sadd.s32 s21, s3  }
0xa3: {  	[timem:s7], [sflag:s22] =	dma.local [hbm:s5], s20  }
0xa4: {  	_ =	swait.ge [sflag:s22], s20  }
0xa5: {  	s4 =	ssub.s32 $0x0, s20;
	[sflag:s22] =	ssyncset.done $0x0  }
0xa6: {  	[sflag:s22] =	ssyncadd.s32 s4;
	_ =	sdelay $0x1  }
0xa7: {  	s23 =	simm.s32 $0x1B8B  }
0xa8: {  	_ =	swait.ge [sflag:s23], $0x1  }
0xa9: {  	[sflag:s23] =	ssyncset.done $0x0  }
0xaa: {  	s25 =	simm.s32 $0x1B8E;
	s24 =	sld [smem:$0x3FFE];
	[sflag:s23] =	ssyncadd.s32 $0xFFFFFFFF  }
0xab: {  	s26 =	simm.s32 $execute0_lowered;
	[smem:$0x3FD2] =	sst s25  }
0xac: {  	s5 =	sshll.u32 s26, $0x1;
	_ =	strace $0x80000046;
	[dreg:$0x1] =	wrdreg $0xFFFFFFFF  }
0xad: {  	s28 =	simm.s32 $_size_execute0_lowered;
	s3 =	sadd.s32 s3, s5;
	[dreg:$0x0] =	wrdreg $0x0  }
0xae: {  	s5 =	sshll.u32 s28, $0x1;
	[dreg:$0x2] =	wrdreg s3  }
0xaf: {  	[dreg:$0x3] =	wrdreg s5  }
0xb0: {  	[dreg:$0x4] =	wrdreg $0xC0  }
0xb1: {  	_ =	task [dreg:s7], $0x5FFFF  }
0xb2: {  	[dreg:$0x1] =	wrdreg $0xFFFFFFFF  }
0xb3: {  	[dreg:$0x0] =	wrdreg $0x60  }
0xb4: {  	[dreg:$0x2] =	wrdreg s24  }
0xb5: {  	[dreg:$0x3] =	wrdreg s16  }
0xb6: {  	[dreg:$0x4] =	wrdreg $0x9  }
0xb7: {  	_ =	task.clear_ibuf [dreg:s7], $0x5FFFF;
	_ =	strace $0x90000046  }
0xb8: {  	s29 =	simm.s32 $0x9;
	_ =	strace $0x80000048  }
0xb9: {  	_ =	swait.ge [sflag:s29], $0x1  }
0xba: {  	[sflag:s29] =	ssyncadd.s32 $0xFFFFFFFF  }
0xbb: {  	_ =	strace $0x90000048  }
0xbc: {  	_ =	sfence  }
0xbd: {  	s30 =	sld [smem:$0x0];
	_ =	sdelay $0x2  }
0xbe: {  	s31 =	sshll.u32 s1, $0xD;
	s1 =	sshrl.u32 s1, $0x2  }
0xbf: {  	s3 =	sand.u32 $0x4000, s31;
	s1 =	sadd.s32 s1, s30  }
0xc0: {  	s0 =	sor.u32 s3, s0;
	s1 =	sshll.u32 s1, $0x11  }
0xc1: {  	s0 =	sor.u32 s1, s0  }
0xc2: {  	s0 =	sadd.s32 $0x8F2B, s0  }
0xc3: {  	[sflag:s0] =	ssyncadd.remote.s32 $0x1  }
0xc4: {  	_ =	sfence.sel $0xFFFF  }
0xc5: {  	[dreg:$0x0] =	wrdreg $0xFFFFFFFF;
	(pc) =	sbr.abs _section_cstart, $3  }
0xc6: {  	[dreg:$0x1] =	wrdreg $0xFFFFFFFF  }
0xc7: {  	_ =	task.clear_ibuf [dreg:s7], $0x2FFFF;
	_ =	strace $0x9FFFFFFF  }
0xc8: {  	(tm) =	ssettm $0x7FFFFFFF  }
0xc9: {  	_ =	shalt  }
tec
execute0_lowered:
.L_overlay_start_1:
0x0: {  	(tag) =	ssettag $0x1  }
0x1: {  	s4 =	rddreg [dreg:$0x0]  }
0x2: {  	s2 =	rddreg [dreg:$0x1];
	s3 =	srdreg.scid  }
0x3: {  	s0 =	rddreg [dreg:$0x2];
	s1 =	stileid.u32  }
0x4: {  	s9 =	simm.s32 $0x80;
	s10 =	simm.s32 $0x100;
	s11 =	simm.s32 $0x900  }
0x5: {  	s12 =	simm.s32 $0x1100;
	s13 =	simm.s32 $0x1900;
	s14 =	simm.s32 $0x2100  }
0x6: {  	s15 =	simm.s32 $0x2900;
	s16 =	simm.s32 $0x3100;
	s17 =	simm.s32 $0x3900  }
0x7: {  	s18 =	simm.s32 $0x1;
	s19 =	simm.s32 $0x2;
	s5 =	sand.u32 $0x1, s3  }
0x8: {  	s3 =	simm.s32 $0x0;
	s6 =	sshll.u32 s1, $0x7;
	s7 =	sshll.u32 s5, $0x6  }
0x9: {  	[smem:$0x7FF] =	sst s3;
	s5 =	ssub.s32 $0x2, s5;
	s6 =	sor.u32 s7, s6  }
0xa: {  	_ =	strace $0x80000047;
	s8 =	sshrl.u32 s5, $0x1;
	s7 =	sshrl.u32 s6, $0x3  }
0xb: {  	v2 =	vlaneseq.u32;
	s6 =	sshll.u32 s6, $0x5;
	s8 =	ssub.s32 s5, s8;
	s7 =	sadd.s32 s7, s4  }
0xc: {  	vm0 =	vmmov $0xffff;
	v1 =	vshrl.u32 v2, $0x3;
	s6 =	sadd.s32 s6, s4;
	s4 =	sadd.s32 $0x12400, s7;
	s5 =	sadd.s32 $0x12200, s7  }
0xd: {  	v0 =	vand.u32 $0x7, v2;
	v2 =	vor.u32 $0x8, v2;
	v1 =	vmul.u32 $0x8, v1;
	s6 =	sadd.s32 $0x2200, s6;
	s7 =	smax.u32 s8, $0x1;
	s8 =	simm.s32 $0x3  }
.LBB2_1:
0xe: {  	[tilespmem:s3], [sflag:$0x3] =	stream.linear.gather [hbm4b:s4+s3], $0x40, $0x38;
	[tilespmem:$0x4100] =	vst v63  }
0xf: {  	_ =	swait.ge [sflag:s8], $0x40  }
0x10: {  	[sflag:s8] =	ssyncset.done $0x0  }
0x11: {  	[sflag:s8] =	ssyncadd.s32 $0xFFFFFFC0  }
0x12: {  	[tilespmem:s9], [sflag:$0x3] =	stream.linear.gather [hbm4b:s5+s3], $0x40, $0x38;
	[tilespmem:$0x4100] =	vst v63  }
0x13: {  	_ =	swait.ge [sflag:s8], $0x40  }
0x14: {  	[sflag:s8] =	ssyncset.done $0x0  }
0x15: {  	[sflag:s8] =	ssyncadd.s32 $0xFFFFFFC0  }
0x16: {  	[tilespmem:s10], [sflag:$0x3] =	stream.linear.gather [hbm4b:s6+s3], $0x4000, $0x38;
	[tilespmem:$0x4100] =	vst v63  }
0x17: {  	_ =	swait.ge [sflag:s8], $0x4000  }
0x18: {  	[sflag:s8] =	ssyncset.done $0x0  }
0x19: {  	[sflag:s8] =	ssyncadd.s32 $0xFFFFC000  }
0x1a: {  	v3 =	vld [tilespmem:$0x0];
	_ =	sdelay $0x4  }
0x1b: {  	v4 =	vshll.u32 v3, $0x1  }
0x1c: {  	v3 =	vand.u32 $0x7, v3;
	v4 =	vand.u32 $0xFFFFFFF0, v4  }
0x1d: {  	v3 =	vor.u32 v3, v4  }
0x1e: {  	v4 =	vperm.xlane v3, v0;
	_ =	sdelay $0x1  }
0x1f: {  	v3 =	vperm.xlane v3, v2;
	v4 =	vadd.s32 v1, v4;
	_ =	sdelay $0x1  }
0x20: {  	v3 =	vadd.s32 v1, v3;
	_ =	sdelay $0x2  }
0x21: {  	[hbm4b:s2+s3] =	stream.indirect_vreg.scatter [tilespmem:s10], [sflag:$0x1], $0x80, v4, vm0, $0xb8;
	[tilespmem:$0x4100] =	vst v63  }
0x22: {  	_ = 	snop  }
0x23: {  	[hbm4b:s2+s3] =	stream.indirect_vreg.scatter [tilespmem:s11], [sflag:$0x1], $0x80, v3, vm0, $0xb8;
	[tilespmem:$0x4100] =	vst v63  }
0x24: {  	v3 =	vld [tilespmem:$0x10];
	_ =	sdelay $0x4  }
0x25: {  	v57 =	vshll.u32 v3, $0x1  }
0x26: {  	v3 =	vand.u32 $0x7, v3;
	v4 =	vand.u32 $0xFFFFFFF0, v57  }
0x27: {  	v3 =	vor.u32 v3, v4  }
0x28: {  	v4 =	vperm.xlane v3, v0;
	_ =	sdelay $0x1  }
0x29: {  	v3 =	vperm.xlane v3, v2;
	v4 =	vadd.s32 v1, v4;
	_ =	sdelay $0x1  }
0x2a: {  	v3 =	vadd.s32 v1, v3;
	_ =	sdelay $0x2  }
0x2b: {  	[hbm4b:s2+s3] =	stream.indirect_vreg.scatter [tilespmem:s12], [sflag:$0x1], $0x80, v4, vm0, $0xb8;
	[tilespmem:$0x4100] =	vst v63  }
0x2c: {  	_ = 	snop  }
0x2d: {  	[hbm4b:s2+s3] =	stream.indirect_vreg.scatter [tilespmem:s13], [sflag:$0x1], $0x80, v3, vm0, $0xb8;
	[tilespmem:$0x4100] =	vst v63  }
0x2e: {  	v3 =	vld [tilespmem:$0x20];
	_ =	sdelay $0x4  }
0x2f: {  	v58 =	vshll.u32 v3, $0x1  }
0x30: {  	v3 =	vand.u32 $0x7, v3;
	v4 =	vand.u32 $0xFFFFFFF0, v58  }
0x31: {  	v3 =	vor.u32 v3, v4  }
0x32: {  	v4 =	vperm.xlane v3, v0;
	_ =	sdelay $0x1  }
0x33: {  	v3 =	vperm.xlane v3, v2;
	v4 =	vadd.s32 v1, v4;
	_ =	sdelay $0x1  }
0x34: {  	v3 =	vadd.s32 v1, v3;
	_ =	sdelay $0x2  }
0x35: {  	[hbm4b:s2+s3] =	stream.indirect_vreg.scatter [tilespmem:s14], [sflag:$0x1], $0x80, v4, vm0, $0xb8;
	[tilespmem:$0x4100] =	vst v63  }
0x36: {  	_ = 	snop  }
0x37: {  	[hbm4b:s2+s3] =	stream.indirect_vreg.scatter [tilespmem:s15], [sflag:$0x1], $0x80, v3, vm0, $0xb8;
	[tilespmem:$0x4100] =	vst v63  }
0x38: {  	v3 =	vld [tilespmem:$0x30];
	_ =	sdelay $0x4  }
0x39: {  	v59 =	vshll.u32 v3, $0x1  }
0x3a: {  	v3 =	vand.u32 $0x7, v3;
	v4 =	vand.u32 $0xFFFFFFF0, v59  }
0x3b: {  	v3 =	vor.u32 v3, v4  }
0x3c: {  	v4 =	vperm.xlane v3, v0;
	_ =	sdelay $0x1  }
0x3d: {  	v3 =	vperm.xlane v3, v2;
	v4 =	vadd.s32 v1, v4;
	_ =	sdelay $0x1  }
0x3e: {  	v3 =	vadd.s32 v1, v3;
	_ =	sdelay $0x2  }
0x3f: {  	[hbm4b:s2+s3] =	stream.indirect_vreg.scatter [tilespmem:s16], [sflag:$0x1], $0x80, v4, vm0, $0xb8;
	[tilespmem:$0x4100] =	vst v63  }
0x40: {  	_ = 	snop  }
0x41: {  	[hbm4b:s2+s3] =	stream.indirect_vreg.scatter [tilespmem:s17], [sflag:$0x1], $0x80, v3, vm0, $0xb8;
	[tilespmem:$0x4100] =	vst v63  }
0x42: {  	v3 =	vld [tilespmem:$0x80];
	_ =	sdelay $0x4  }
0x43: {  	v60 =	vshll.u32 v3, $0x1  }
0x44: {  	v3 =	vand.u32 $0x7, v3;
	v4 =	vand.u32 $0xFFFFFFF0, v60  }
0x45: {  	v3 =	vor.u32 v3, v4  }
0x46: {  	v4 =	vperm.xlane v3, v0;
	_ =	sdelay $0x1  }
0x47: {  	v3 =	vperm.xlane v3, v2;
	v4 =	vadd.s32 v1, v4;
	_ =	sdelay $0x1  }
0x48: {  	v3 =	vadd.s32 v1, v3;
	_ =	sdelay $0x2  }
0x49: {  	[hbm4b:s2+s3] =	stream.indirect_vreg.scatter [tilespmem:s10], [sflag:$0x2], $0x80, v4, vm0, $0xb8;
	[tilespmem:$0x4100] =	vst v63  }
0x4a: {  	_ = 	snop  }
0x4b: {  	[hbm4b:s2+s3] =	stream.indirect_vreg.scatter [tilespmem:s11], [sflag:$0x2], $0x80, v3, vm0, $0xb8;
	[tilespmem:$0x4100] =	vst v63  }
0x4c: {  	v3 =	vld [tilespmem:$0x90];
	_ =	sdelay $0x4  }
0x4d: {  	v61 =	vshll.u32 v3, $0x1  }
0x4e: {  	v3 =	vand.u32 $0x7, v3;
	v4 =	vand.u32 $0xFFFFFFF0, v61  }
0x4f: {  	v3 =	vor.u32 v3, v4  }
0x50: {  	v4 =	vperm.xlane v3, v0;
	_ =	sdelay $0x1  }
0x51: {  	v3 =	vperm.xlane v3, v2;
	v4 =	vadd.s32 v1, v4;
	_ =	sdelay $0x1  }
0x52: {  	v3 =	vadd.s32 v1, v3;
	_ =	sdelay $0x2  }
0x53: {  	[hbm4b:s2+s3] =	stream.indirect_vreg.scatter [tilespmem:s12], [sflag:$0x2], $0x80, v4, vm0, $0xb8;
	[tilespmem:$0x4100] =	vst v63  }
0x54: {  	_ = 	snop  }
0x55: {  	[hbm4b:s2+s3] =	stream.indirect_vreg.scatter [tilespmem:s13], [sflag:$0x2], $0x80, v3, vm0, $0xb8;
	[tilespmem:$0x4100] =	vst v63  }
0x56: {  	v3 =	vld [tilespmem:$0xA0];
	_ =	sdelay $0x4  }
0x57: {  	v62 =	vshll.u32 v3, $0x1  }
0x58: {  	v3 =	vand.u32 $0x7, v3;
	v4 =	vand.u32 $0xFFFFFFF0, v62  }
0x59: {  	v3 =	vor.u32 v3, v4  }
0x5a: {  	v4 =	vperm.xlane v3, v0;
	_ =	sdelay $0x1  }
0x5b: {  	v3 =	vperm.xlane v3, v2;
	v4 =	vadd.s32 v1, v4;
	_ =	sdelay $0x1  }
0x5c: {  	v3 =	vadd.s32 v1, v3;
	_ =	sdelay $0x2  }
0x5d: {  	[hbm4b:s2+s3] =	stream.indirect_vreg.scatter [tilespmem:s14], [sflag:$0x2], $0x80, v4, vm0, $0xb8;
	[tilespmem:$0x4100] =	vst v63  }
0x5e: {  	_ = 	snop  }
0x5f: {  	[hbm4b:s2+s3] =	stream.indirect_vreg.scatter [tilespmem:s15], [sflag:$0x2], $0x80, v3, vm0, $0xb8;
	[tilespmem:$0x4100] =	vst v63  }
0x60: {  	v3 =	vld [tilespmem:$0xB0];
	_ =	sdelay $0x4  }
0x61: {  	v63 =	vshll.u32 v3, $0x1  }
0x62: {  	v3 =	vand.u32 $0x7, v3;
	v4 =	vand.u32 $0xFFFFFFF0, v63  }
0x63: {  	v3 =	vor.u32 v3, v4  }
0x64: {  	v4 =	vperm.xlane v3, v0;
	_ =	sdelay $0x1  }
0x65: {  	v3 =	vperm.xlane v3, v2;
	v4 =	vadd.s32 v1, v4;
	_ =	sdelay $0x1  }
0x66: {  	v3 =	vadd.s32 v1, v3;
	_ =	sdelay $0x2  }
0x67: {  	[hbm4b:s2+s3] =	stream.indirect_vreg.scatter [tilespmem:s16], [sflag:$0x2], $0x80, v4, vm0, $0xb8;
	[tilespmem:$0x4100] =	vst v63  }
0x68: {  	_ = 	snop  }
0x69: {  	[hbm4b:s2+s3] =	stream.indirect_vreg.scatter [tilespmem:s17], [sflag:$0x2], $0x80, v3, vm0, $0xb8;
	[tilespmem:$0x4100] =	vst v63  }
0x6a: {  	p0 =	sne.s32 s7, $0x1;
	_ =	swait.ge [sflag:s18], $0x4000  }
.Ltmp0:
0x6b: {  	[sflag:s18] =	ssyncset.done $0x0;
	(pc) =	sbr.rel @p0 .LBB2_1-.Ltmp0, $4  }
0x6c: {  	[sflag:s18] =	ssyncadd.s32 $0xFFFFC000  }
0x6d: {  	_ =	swait.ge [sflag:s19], $0x4000  }
0x6e: {  	[sflag:s19] =	ssyncset.done $0x0  }
0x6f: {  	s7 =	sadd.s32 $0xFFFFFFFF, s7;
	[sflag:s19] =	ssyncadd.s32 $0xFFFFC000  }
0x70: {  	_ =	sfence.sel $0x180000  }
0x71: {  	[bflag:$0x0] =	sbarrier.arrive $0xFFFF  }
0x72: {  	p0 =	sne.s32 s1, $0x0;
	_ =	strace $0x90000047  }
0x73: {  	s0 =	sadd.s32 @!p0 $0x100000, s0;
	[bflag:$0x2] =	sbarrier.arrive $0xFFFF  }
0x74: {  	[sflag:s0] =	ssyncadd.tile.s32 @!p0 $0x1;
	_ =	shalt  }
.Lfunc_end2:
_tile_overlayer_lowered:
.L_overlay_start_2:
0x75: {  	(tag) =	ssettag $0x2  }
0x76: {  	s0 =	rddreg [dreg:$0x0];
	s2 =	stileid.u32  }
0x77: {  	s1 =	rddreg [dreg:$0x1];
	p0 =	sne.s32 s2, $0x0  }
0x78: {  	s3 =	rddreg [dreg:$0x2];
	[bflag:$0x3] =	sbarrier.arrive $0xFFFF;
	s2 =	simm.s32 @!p0 $0x1C03  }
0x79: {  	[timem:s3], [sflag:s2] =	dma.local @!p0 [hbm:s0], s1  }
0x7a: {  	s0 =	simm.s32 @!p0 $0x3  }
0x7b: {  	_ =	swait.ge @!p0 [sflag:s0], s1  }
0x7c: {  	s1 =	ssub.s32 @!p0 $0x0, s1;
	[sflag:s0] =	ssyncset.done @!p0 $0x0  }
0x7d: {  	[sflag:s0] =	ssyncadd.s32 @!p0 s1  }
0x7e: {  	[bflag:$0x3] =	sbarrier.arrive $0xFFFF  }
0x7f: {  	_ =	shalt  }

</sc_bundles>
